<compile_context>
chip_gen: v7x
topology: tpu7x:2x2x1
jax: 0.10.2.dev20260603
libtpu: 0.0.44.dev20260713+nightly
codegen_flags: <defaults>
</compile_context>

<pallas_src>
import functools

import jax
import jax.numpy as jnp
from jax import lax
from jax.experimental import pallas as pl
from jax.experimental.pallas import tpu as pltpu
from jax.experimental.pallas import tpu_sc as plsc

D_MODEL = 768
N_PATCHES = 576
N_TOT = N_PATCHES + 1
BATCH = 64

_NUM_CORES = 2
_NUM_SUBCORES = 16
_NUM_WORKERS = _NUM_CORES * _NUM_SUBCORES
_LANES = 16
_VPR = D_MODEL // _LANES

_HB = BATCH // 2
_T_PER_W = N_PATCHES // _NUM_WORKERS
_ITEMS_PER_W = 2 * _T_PER_W
_POS_ROWS = 24


def _sc_body(in_hbm, cls_hbm, pos_hbm, out_hbm,
             pos_v, cls_v, ix0, ix1, in0, in1, ot0, ot1,
             is0, is1, os0, os1):
    c_ax = lax.axis_index("c")
    s_ax = lax.axis_index("s")
    wid = c_ax * _NUM_SUBCORES + s_ax
    t0 = wid * _T_PER_W

    in_bufs = (in0, in1)
    out_bufs = (ot0, ot1)
    ix_bufs = (ix0, ix1)
    in_sems = (is0, is1)
    out_sems = (os0, os1)

    iota = lax.iota(jnp.int32, 16)
    k_lo = iota * N_PATCHES
    k_hi = (iota + 16) * N_PATCHES

    pltpu.sync_copy(cls_hbm, cls_v)
    ix0[pl.ds(0, _LANES)] = jnp.minimum(t0 + iota, N_PATCHES)
    ix0[pl.ds(8, _LANES)] = jnp.minimum(t0 + 8 + iota, N_PATCHES)
    pltpu.async_copy(pos_hbm.at[ix0.at[pl.ds(0, _POS_ROWS)]], pos_v,
                     is0).wait()

    def start_in(m, i):
        t = t0 + m // 2
        bh = m % 2
        base = bh * (_HB * N_PATCHES) + t - 1
        ix_bufs[i][pl.ds(0, _LANES)] = jnp.maximum(base + k_lo, 0)
        ix_bufs[i][pl.ds(_LANES, _LANES)] = base + k_hi
        pltpu.async_copy(in_hbm.at[ix_bufs[i]], in_bufs[i], in_sems[i])

    def wait_in(i):
        pltpu.make_async_copy(in_hbm.at[ix_bufs[i]], in_bufs[i],
                              in_sems[i]).wait()

    def start_out(m, i):
        t = t0 + m // 2
        bh = m % 2
        pltpu.async_copy(out_bufs[i], out_hbm.at[t, pl.ds(bh * _HB, _HB)],
                         out_sems[i])

    def wait_out(i):
        pltpu.make_async_copy(out_bufs[i], out_hbm.at[0, pl.ds(0, _HB)],
                              out_sems[i]).wait()

    start_in(0, 0)
    start_in(1, 1)

    def g_body(g, carry):
        for i in range(2):
            m = g * 2 + i
            t = t0 + m // 2
            tr = m // 2

            wait_in(i)

            @pl.when(g > 0)
            def _():
                wait_out(i)

            @pl.when(t > 0)
            def _():
                def v_body(v, cr):
                    slv = pl.ds(v * _LANES, _LANES)
                    pv = pos_v[tr, slv]

                    @plsc.parallel_loop(0, _HB, unroll=8)
                    def _(r):
                        out_bufs[i][r, slv] = in_bufs[i][r, slv] + pv

                    return cr

                lax.fori_loop(0, _VPR, v_body, 0)

            @pl.when(t == 0)
            def _():
                def v_body(v, cr):
                    slv = pl.ds(v * _LANES, _LANES)
                    cv = cls_v[0, slv] + pos_v[tr, slv]

                    @plsc.parallel_loop(0, _HB, unroll=8)
                    def _(r):
                        out_bufs[i][r, slv] = cv

                    return cr

                lax.fori_loop(0, _VPR, v_body, 0)

            start_out(m, i)

            @pl.when(m + 2 < _ITEMS_PER_W)
            def _():
                start_in(m + 2, i)

        return carry

    lax.fori_loop(0, _ITEMS_PER_W // 2, g_body, 0)

    wait_out(0)
    wait_out(1)

    @pl.when(wid >= _NUM_WORKERS - 2)
    def _():
        bh = wid - (_NUM_WORKERS - 2)
        base = bh * (_HB * N_PATCHES) + N_PATCHES - 1
        ix0[pl.ds(0, _LANES)] = base + k_lo
        ix0[pl.ds(_LANES, _LANES)] = base + k_hi
        pltpu.async_copy(in_hbm.at[ix0], in0, is0).wait()
        pltpu.sync_copy(pos_hbm.at[pl.ds(N_PATCHES, 1)], cls_v)

        def v_body(v, cr):
            slv = pl.ds(v * _LANES, _LANES)
            pv = cls_v[0, slv]

            @plsc.parallel_loop(0, _HB, unroll=8)
            def _(r):
                ot0[r, slv] = in0[r, slv] + pv

            return cr

        lax.fori_loop(0, _VPR, v_body, 0)
        pltpu.sync_copy(ot0, out_hbm.at[N_PATCHES, pl.ds(bh * _HB, _HB)])


_sc_call = functools.partial(
    pl.kernel,
    mesh=plsc.VectorSubcoreMesh(core_axis_name="c", subcore_axis_name="s"),
    out_type=jax.ShapeDtypeStruct((N_TOT, BATCH, D_MODEL), jnp.float32),
    scratch_types=[
        pltpu.VMEM((_POS_ROWS, D_MODEL), jnp.float32),
        pltpu.VMEM((1, D_MODEL), jnp.float32),
        pltpu.VMEM((_HB,), jnp.int32),
        pltpu.VMEM((_HB,), jnp.int32),
        pltpu.VMEM((_HB, D_MODEL), jnp.float32),
        pltpu.VMEM((_HB, D_MODEL), jnp.float32),
        pltpu.VMEM((_HB, D_MODEL), jnp.float32),
        pltpu.VMEM((_HB, D_MODEL), jnp.float32),
        pltpu.SemaphoreType.DMA,
        pltpu.SemaphoreType.DMA,
        pltpu.SemaphoreType.DMA,
        pltpu.SemaphoreType.DMA,
    ],
)(_sc_body)


def kernel(inputs, class_embed, pos_table):
    flat_in = inputs.reshape(BATCH * N_PATCHES, D_MODEL)
    cls = class_embed.reshape(1, D_MODEL)
    out_t = _sc_call(flat_in, cls, pos_table)
    return out_t.transpose(1, 0, 2)

# --- scband reference (transcript-rebuilt; emitter-appended) ---
"""Pipeline reference for scband-patch-class-embedding-86045374808613 (READ-ONLY COPY).

The authoritative reference and input builder live on the scoring server;
editing this copy changes nothing except your own understanding.
"""

import jax, jax.numpy as jnp
import numpy as np

D_MODEL = 768
N_PATCHES = 576
N_TOT = N_PATCHES + 1
BATCH = 64

def setup_inputs(seed: int = 0) -> dict:
    key = jax.random.key(seed)
    k1, k2, k3 = jax.random.split(key, 3)
    inputs = jax.random.normal(k1, (BATCH, N_PATCHES, D_MODEL), dtype=jnp.float32)
    # class token, he_normal-ish init
    class_embed = jax.random.normal(k2, (1, 1, D_MODEL), dtype=jnp.float32) * np.sqrt(2.0 / D_MODEL)
    # position embedding table (keras Embedding default uniform init)
    pos_table = jax.random.uniform(k3, (N_TOT, D_MODEL), dtype=jnp.float32, minval=-0.05, maxval=0.05)
    return {"inputs": inputs, "class_embed": class_embed, "pos_table": pos_table}

def reference(inputs, class_embed, pos_table):
    batch_size = inputs.shape[0]
    class_token = jnp.tile(class_embed, (batch_size, 1, 1))
    x = jnp.concatenate([class_token, inputs], axis=1)
    positions = jnp.arange(0, N_TOT, 1)
    position_embeddings = jnp.take(pos_table, positions, axis=0)
    encoded = x + position_embeddings[None, :, :]
    return encoded

if __name__ == "__main__":
    import jax
    _d = setup_inputs()
    print(jax.jit(kernel)(*tuple(_d.values())))

</pallas_src>

<mosaic_0001>
#map = affine_map<(d0, d1) -> (0, 0)>
#map1 = affine_map<(d0, d1) -> (0, 0, 0)>
module attributes {stable_mosaic.version = 14 : i64} {
  func.func @_sc_body(%arg0: i32, %arg1: i32, %arg2: memref<36864x768xf32, #tpu.memory_space<hbm>>, %arg3: memref<1x768xf32, #tpu.memory_space<hbm>>, %arg4: memref<577x768xf32, #tpu.memory_space<hbm>>, %arg5: memref<577x64x768xf32, #tpu.memory_space<hbm>>, %arg6: memref<24x768xf32, #tpu.memory_space<vmem>>, %arg7: memref<1x768xf32, #tpu.memory_space<vmem>>, %arg8: memref<32xi32, #tpu.memory_space<vmem>>, %arg9: memref<32xi32, #tpu.memory_space<vmem>>, %arg10: memref<32x768xf32, #tpu.memory_space<vmem>>, %arg11: memref<32x768xf32, #tpu.memory_space<vmem>>, %arg12: memref<32x768xf32, #tpu.memory_space<vmem>>, %arg13: memref<32x768xf32, #tpu.memory_space<vmem>>, %arg14: memref<!tpu.dma_semaphore, #tpu.memory_space<semaphore_mem>>, %arg15: memref<!tpu.dma_semaphore, #tpu.memory_space<semaphore_mem>>, %arg16: memref<!tpu.dma_semaphore, #tpu.memory_space<semaphore_mem>>, %arg17: memref<!tpu.dma_semaphore, #tpu.memory_space<semaphore_mem>>) attributes {dimension_semantics = [#tpu.dimension_semantics<core_parallel>, #tpu.dimension_semantics<subcore_parallel>], iteration_bounds = array<i64: 2, 16>, scalar_prefetch = 0 : i64, scratch_operands = 12 : i64, tpu.core_type = #tpu.core_type<sc_vector_subcore>, window_params = [{transform_indices = #map}, {transform_indices = #map}, {transform_indices = #map}, {transform_indices = #map1}]} {
    %mul3A = arith.constant 16 : i32
    %mul3A_0 = arith.muli %arg0, %mul3A : i32
    %add3A = arith.addi %mul3A_0, %arg1 : i32
    %mul3A_1 = arith.constant 18 : i32
    %mul3A_2 = arith.muli %add3A, %mul3A_1 : i32
    %iota3A = tpu.iota {dimensions = array<i32: 0>} : vector<16xi32>
    %mul3A_3 = arith.constant 576 : i32
    %mul3A_4 = vector.broadcast %mul3A_3 : i32 to vector<16xi32>
    %mul3A_5 = arith.muli %iota3A, %mul3A_4 : vector<16xi32>
    %add3A_6 = arith.constant 16 : i32
    %add3A_7 = vector.broadcast %add3A_6 : i32 to vector<16xi32>
    %add3A_8 = arith.addi %iota3A, %add3A_7 : vector<16xi32>
    %mul3A_9 = arith.constant 576 : i32
    %mul3A_10 = vector.broadcast %mul3A_9 : i32 to vector<16xi32>
    %mul3A_11 = arith.muli %add3A_8, %mul3A_10 : vector<16xi32>
    "tpu.region"() ({
      %run_scoped3A = tpu.sem_alloc : memref<!tpu.dma_semaphore, #tpu.memory_space<semaphore_mem>>
      tpu.enqueue_dma source(%arg3 : memref<1x768xf32, #tpu.memory_space<hbm>>) target(%arg7 : memref<1x768xf32, #tpu.memory_space<vmem>>) target_semaphore(%run_scoped3A : memref<!tpu.dma_semaphore, #tpu.memory_space<semaphore_mem>>)
      tpu.wait_dma2 semaphore(%run_scoped3A : memref<!tpu.dma_semaphore, #tpu.memory_space<semaphore_mem>>) src(%arg3 : memref<1x768xf32, #tpu.memory_space<hbm>>) dst(%arg7 : memref<1x768xf32, #tpu.memory_space<vmem>>)
      tpu.yield
    }) : () -> ()
    %add3A_12 = vector.broadcast %mul3A_2 : i32 to vector<16xi32>
    %add3A_13 = arith.addi %add3A_12, %iota3A : vector<16xi32>
    %min3A = arith.constant 576 : i32
    %min3A_14 = vector.broadcast %min3A : i32 to vector<16xi32>
    %min3A_15 = arith.minsi %add3A_13, %min3A_14 : vector<16xi32>
    %swap3A = arith.constant 0 : index
    %swap3A_16 = tpu.vector_load %arg8[%swap3A] {strides = array<i32>} : memref<32xi32, #tpu.memory_space<vmem>>, vector<16xi32>,
    %swap3A_17 = vector.shape_cast %swap3A_16 : vector<16xi32> to vector<16xi32>
    %swap3A_18 = vector.shape_cast %min3A_15 : vector<16xi32> to vector<16xi32>
    tpu.vector_store %arg8[%swap3A], %swap3A_18 {strides = array<i32>} : memref<32xi32, #tpu.memory_space<vmem>>, vector<16xi32>,
    %add3A_19 = arith.constant 8 : i32
    %add3A_20 = arith.addi %mul3A_2, %add3A_19 : i32
    %add3A_21 = vector.broadcast %add3A_20 : i32 to vector<16xi32>
    %add3A_22 = arith.addi %add3A_21, %iota3A : vector<16xi32>
    %min3A_23 = arith.constant 576 : i32
    %min3A_24 = vector.broadcast %min3A_23 : i32 to vector<16xi32>
    %min3A_25 = arith.minsi %add3A_22, %min3A_24 : vector<16xi32>
    %swap3A_26 = arith.constant 8 : index
    %swap3A_27 = tpu.vector_load %arg8[%swap3A_26] {strides = array<i32>} : memref<32xi32, #tpu.memory_space<vmem>>, vector<16xi32>,
    %swap3A_28 = vector.shape_cast %swap3A_27 : vector<16xi32> to vector<16xi32>
    %swap3A_29 = vector.shape_cast %min3A_25 : vector<16xi32> to vector<16xi32>
    tpu.vector_store %arg8[%swap3A_26], %swap3A_29 {strides = array<i32>} : memref<32xi32, #tpu.memory_space<vmem>>, vector<16xi32>,
    %dma_start3A = arith.constant 0 : i32
    %dma_start3A_30 = tpu.memref_slice %arg8[%dma_start3A] : memref<32xi32, #tpu.memory_space<vmem>> -> memref<24xi32, #tpu.memory_space<vmem>>
    %dma_start3A_31 = arith.constant 0 : i32
    %dma_start3A_32 = arith.constant 0 : i32
    %dma_start3A_33 = tpu.memref_slice %arg4[%dma_start3A_31, %dma_start3A_32] : memref<577x768xf32, #tpu.memory_space<hbm>> -> memref<577x768xf32, #tpu.memory_space<hbm>>
    tpu.enqueue_indirect_dma source(%dma_start3A_33 : memref<577x768xf32, #tpu.memory_space<hbm>>) target(%arg6 : memref<24x768xf32, #tpu.memory_space<vmem>>) offsets(%dma_start3A_30 : memref<24xi32, #tpu.memory_space<vmem>>) semaphore(%arg14 : memref<!tpu.dma_semaphore, #tpu.memory_space<semaphore_mem>>)
    %dma_wait3A = arith.constant 0 : i32
    %dma_wait3A_34 = tpu.memref_slice %arg8[%dma_wait3A] : memref<32xi32, #tpu.memory_space<vmem>> -> memref<24xi32, #tpu.memory_space<vmem>>
    %dma_wait3A_35 = arith.constant 0 : i32
    %dma_wait3A_36 = arith.constant 0 : i32
    %dma_wait3A_37 = tpu.memref_slice %arg4[%dma_wait3A_35, %dma_wait3A_36] : memref<577x768xf32, #tpu.memory_space<hbm>> -> memref<577x768xf32, #tpu.memory_space<hbm>>
    tpu.wait_indirect_dma semaphore(%arg14 : memref<!tpu.dma_semaphore, #tpu.memory_space<semaphore_mem>>) src(%dma_wait3A_37 : memref<577x768xf32, #tpu.memory_space<hbm>>) dst(%arg6 : memref<24x768xf32, #tpu.memory_space<vmem>>)
    %add3A_38 = arith.constant 0 : i32
    %add3A_39 = arith.addi %mul3A_2, %add3A_38 : i32
    %add3A_40 = arith.constant 0 : i32
    %add3A_41 = arith.addi %add3A_40, %add3A_39 : i32
    %sub3A = arith.constant 1 : i32
    %sub3A_42 = arith.subi %add3A_41, %sub3A : i32
    %add3A_43 = vector.broadcast %sub3A_42 : i32 to vector<16xi32>
    %add3A_44 = arith.addi %add3A_43, %mul3A_5 : vector<16xi32>
    %max3A = arith.constant 0 : i32
    %max3A_45 = vector.broadcast %max3A : i32 to vector<16xi32>
    %max3A_46 = arith.maxsi %add3A_44, %max3A_45 : vector<16xi32>
    %swap3A_47 = arith.constant 0 : index
    %swap3A_48 = tpu.vector_load %arg8[%swap3A_47] {strides = array<i32>} : memref<32xi32, #tpu.memory_space<vmem>>, vector<16xi32>,
    %swap3A_49 = vector.shape_cast %swap3A_48 : vector<16xi32> to vector<16xi32>
    %swap3A_50 = vector.shape_cast %max3A_46 : vector<16xi32> to vector<16xi32>
    tpu.vector_store %arg8[%swap3A_47], %swap3A_50 {strides = array<i32>} : memref<32xi32, #tpu.memory_space<vmem>>, vector<16xi32>,
    %add3A_51 = vector.broadcast %sub3A_42 : i32 to vector<16xi32>
    %add3A_52 = arith.addi %add3A_51, %mul3A_11 : vector<16xi32>
    %swap3A_53 = arith.constant 16 : index
    %swap3A_54 = tpu.vector_load %arg8[%swap3A_53] {strides = array<i32>} : memref<32xi32, #tpu.memory_space<vmem>>, vector<16xi32>,
    %swap3A_55 = vector.shape_cast %swap3A_54 : vector<16xi32> to vector<16xi32>
    %swap3A_56 = vector.shape_cast %add3A_52 : vector<16xi32> to vector<16xi32>
    tpu.vector_store %arg8[%swap3A_53], %swap3A_56 {strides = array<i32>} : memref<32xi32, #tpu.memory_space<vmem>>, vector<16xi32>,
    %dma_start3A_57 = arith.constant 0 : i32
    %dma_start3A_58 = arith.constant 0 : i32
    %dma_start3A_59 = tpu.memref_slice %arg2[%dma_start3A_57, %dma_start3A_58] : memref<36864x768xf32, #tpu.memory_space<hbm>> -> memref<36864x768xf32, #tpu.memory_space<hbm>>
    tpu.enqueue_indirect_dma source(%dma_start3A_59 : memref<36864x768xf32, #tpu.memory_space<hbm>>) target(%arg10 : memref<32x768xf32, #tpu.memory_space<vmem>>) offsets(%arg8 : memref<32xi32, #tpu.memory_space<vmem>>) semaphore(%arg14 : memref<!tpu.dma_semaphore, #tpu.memory_space<semaphore_mem>>)
    %add3A_60 = arith.constant 0 : i32
    %add3A_61 = arith.addi %mul3A_2, %add3A_60 : i32
    %add3A_62 = arith.constant 18432 : i32
    %add3A_63 = arith.addi %add3A_62, %add3A_61 : i32
    %sub3A_64 = arith.constant 1 : i32
    %sub3A_65 = arith.subi %add3A_63, %sub3A_64 : i32
    %add3A_66 = vector.broadcast %sub3A_65 : i32 to vector<16xi32>
    %add3A_67 = arith.addi %add3A_66, %mul3A_5 : vector<16xi32>
    %max3A_68 = arith.constant 0 : i32
    %max3A_69 = vector.broadcast %max3A_68 : i32 to vector<16xi32>
    %max3A_70 = arith.maxsi %add3A_67, %max3A_69 : vector<16xi32>
    %swap3A_71 = arith.constant 0 : index
    %swap3A_72 = tpu.vector_load %arg9[%swap3A_71] {strides = array<i32>} : memref<32xi32, #tpu.memory_space<vmem>>, vector<16xi32>,
    %swap3A_73 = vector.shape_cast %swap3A_72 : vector<16xi32> to vector<16xi32>
    %swap3A_74 = vector.shape_cast %max3A_70 : vector<16xi32> to vector<16xi32>
    tpu.vector_store %arg9[%swap3A_71], %swap3A_74 {strides = array<i32>} : memref<32xi32, #tpu.memory_space<vmem>>, vector<16xi32>,
    %add3A_75 = vector.broadcast %sub3A_65 : i32 to vector<16xi32>
    %add3A_76 = arith.addi %add3A_75, %mul3A_11 : vector<16xi32>
    %swap3A_77 = arith.constant 16 : index
    %swap3A_78 = tpu.vector_load %arg9[%swap3A_77] {strides = array<i32>} : memref<32xi32, #tpu.memory_space<vmem>>, vector<16xi32>,
    %swap3A_79 = vector.shape_cast %swap3A_78 : vector<16xi32> to vector<16xi32>
    %swap3A_80 = vector.shape_cast %add3A_76 : vector<16xi32> to vector<16xi32>
    tpu.vector_store %arg9[%swap3A_77], %swap3A_80 {strides = array<i32>} : memref<32xi32, #tpu.memory_space<vmem>>, vector<16xi32>,
    %dma_start3A_81 = arith.constant 0 : i32
    %dma_start3A_82 = arith.constant 0 : i32
    %dma_start3A_83 = tpu.memref_slice %arg2[%dma_start3A_81, %dma_start3A_82] : memref<36864x768xf32, #tpu.memory_space<hbm>> -> memref<36864x768xf32, #tpu.memory_space<hbm>>
    tpu.enqueue_indirect_dma source(%dma_start3A_83 : memref<36864x768xf32, #tpu.memory_space<hbm>>) target(%arg11 : memref<32x768xf32, #tpu.memory_space<vmem>>) offsets(%arg9 : memref<32xi32, #tpu.memory_space<vmem>>) semaphore(%arg15 : memref<!tpu.dma_semaphore, #tpu.memory_space<semaphore_mem>>)
    %scan3A = arith.constant 0 : i32
    %scan3A_84 = arith.constant 0 : i32
    %scan3A_85 = arith.constant 18 : i32
    %scan3A_86 = arith.addi %scan3A_84, %scan3A_85 : i32
    %scan3A_87 = arith.constant 1 : i32
    scf.for %scan3A_109 = %scan3A_84 to %scan3A_86 step %scan3A_87  : i32 {
      %mul3A_110 = arith.constant 2 : i32
      %mul3A_111 = arith.muli %scan3A_109, %mul3A_110 : i32
      %add3A_112 = arith.constant 0 : i32
      %add3A_113 = arith.addi %mul3A_111, %add3A_112 : i32
      %jit3A = arith.constant 2 : i32
      %div3A = arith.divsi %add3A_113, %jit3A : i32
      %sign3A = arith.constant 0 : i32
      %sign3A_114 = arith.cmpi sgt, %add3A_113, %sign3A : i32
      %sign3A_115 = arith.extui %sign3A_114 : i1 to i32
      %sign3A_116 = arith.constant 0 : i32
      %sign3A_117 = arith.cmpi slt, %add3A_113, %sign3A_116 : i32
      %sign3A_118 = arith.extui %sign3A_117 : i1 to i32
      %sign3A_119 = arith.subi %sign3A_115, %sign3A_118 : i32
      %sign3A_120 = arith.constant 0 : i32
      %sign3A_121 = arith.cmpi sgt, %jit3A, %sign3A_120 : i32
      %sign3A_122 = arith.extui %sign3A_121 : i1 to i32
      %sign3A_123 = arith.constant 0 : i32
      %sign3A_124 = arith.cmpi slt, %jit3A, %sign3A_123 : i32
      %sign3A_125 = arith.extui %sign3A_124 : i1 to i32
      %sign3A_126 = arith.subi %sign3A_122, %sign3A_125 : i32
      %ne3A = arith.cmpi ne, %sign3A_119, %sign3A_126 : i32
      %rem3A = arith.remsi %add3A_113, %jit3A : i32
      %ne3A_127 = arith.constant 0 : i32
      %ne3A_128 = arith.cmpi ne, %rem3A, %ne3A_127 : i32
      %and3A = arith.andi %ne3A, %ne3A_128 : i1
      %sub3A_129 = arith.constant 1 : i32
      %sub3A_130 = arith.subi %div3A, %sub3A_129 : i32
      %select_n3A = arith.select %and3A, %sub3A_130, %div3A : i32
      %add3A_131 = arith.addi %mul3A_2, %select_n3A : i32
      %jit3A_132 = arith.constant 2 : i32
      %div3A_133 = arith.divsi %add3A_113, %jit3A_132 : i32
      %sign3A_134 = arith.constant 0 : i32
      %sign3A_135 = arith.cmpi sgt, %add3A_113, %sign3A_134 : i32
      %sign3A_136 = arith.extui %sign3A_135 : i1 to i32
      %sign3A_137 = arith.constant 0 : i32
      %sign3A_138 = arith.cmpi slt, %add3A_113, %sign3A_137 : i32
      %sign3A_139 = arith.extui %sign3A_138 : i1 to i32
      %sign3A_140 = arith.subi %sign3A_136, %sign3A_139 : i32
      %sign3A_141 = arith.constant 0 : i32
      %sign3A_142 = arith.cmpi sgt, %jit3A_132, %sign3A_141 : i32
      %sign3A_143 = arith.extui %sign3A_142 : i1 to i32
      %sign3A_144 = arith.constant 0 : i32
      %sign3A_145 = arith.cmpi slt, %jit3A_132, %sign3A_144 : i32
      %sign3A_146 = arith.extui %sign3A_145 : i1 to i32
      %sign3A_147 = arith.subi %sign3A_143, %sign3A_146 : i32
      %ne3A_148 = arith.cmpi ne, %sign3A_140, %sign3A_147 : i32
      %rem3A_149 = arith.remsi %add3A_113, %jit3A_132 : i32
      %ne3A_150 = arith.constant 0 : i32
      %ne3A_151 = arith.cmpi ne, %rem3A_149, %ne3A_150 : i32
      %and3A_152 = arith.andi %ne3A_148, %ne3A_151 : i1
      %sub3A_153 = arith.constant 1 : i32
      %sub3A_154 = arith.subi %div3A_133, %sub3A_153 : i32
      %select_n3A_155 = arith.select %and3A_152, %sub3A_154, %div3A_133 : i32
      %dma_wait3A_156 = arith.constant 0 : i32
      %dma_wait3A_157 = arith.constant 0 : i32
      %dma_wait3A_158 = tpu.memref_slice %arg2[%dma_wait3A_156, %dma_wait3A_157] : memref<36864x768xf32, #tpu.memory_space<hbm>> -> memref<36864x768xf32, #tpu.memory_space<hbm>>
      tpu.wait_indirect_dma semaphore(%arg14 : memref<!tpu.dma_semaphore, #tpu.memory_space<semaphore_mem>>) src(%dma_wait3A_158 : memref<36864x768xf32, #tpu.memory_space<hbm>>) dst(%arg10 : memref<32x768xf32, #tpu.memory_space<vmem>>)
      %gt3A = arith.constant 0 : i32
      %gt3A_159 = arith.cmpi sgt, %scan3A_109, %gt3A : i32
      %convert_element_type3A_160 = arith.extui %gt3A_159 : i1 to i32
      %cond3A_161 = arith.constant 0 : i32
      %cond3A_162 = arith.cmpi ne, %convert_element_type3A_160, %cond3A_161 : i32
      scf.if %cond3A_162 {
        %dma_wait3A_354 = arith.constant 0 : i32
        %dma_wait3A_355 = arith.constant 0 : i32
        %dma_wait3A_356 = arith.constant 0 : i32
        %dma_wait3A_357 = tpu.memref_slice %arg5[%dma_wait3A_354, %dma_wait3A_355, %dma_wait3A_356] : memref<577x64x768xf32, #tpu.memory_space<hbm>> -> memref<1x32x768xf32, #tpu.memory_space<hbm>>
        %dma_wait3A_358 = tpu.memref_squeeze %dma_wait3A_357 : memref<1x32x768xf32, #tpu.memory_space<hbm>> -> memref<32x768xf32, #tpu.memory_space<hbm>>
        %dma_wait3A_359 = arith.constant 0 : i32
        %dma_wait3A_360 = arith.constant 0 : i32
        %dma_wait3A_361 = tpu.memref_slice %arg5[%dma_wait3A_354, %dma_wait3A_359, %dma_wait3A_360] : memref<577x64x768xf32, #tpu.memory_space<hbm>> -> memref<1x32x768xf32, #tpu.memory_space<hbm>>
        %dma_wait3A_362 = tpu.memref_squeeze %dma_wait3A_361 : memref<1x32x768xf32, #tpu.memory_space<hbm>> -> memref<32x768xf32, #tpu.memory_space<hbm>>
        tpu.wait_dma2 semaphore(%arg16 : memref<!tpu.dma_semaphore, #tpu.memory_space<semaphore_mem>>) src(%arg12 : memref<32x768xf32, #tpu.memory_space<vmem>>) dst(%dma_wait3A_362 : memref<32x768xf32, #tpu.memory_space<hbm>>)
      } else {
      }
      %gt3A_163 = arith.constant 0 : i32
      %gt3A_164 = arith.cmpi sgt, %add3A_131, %gt3A_163 : i32
      %convert_element_type3A_165 = arith.extui %gt3A_164 : i1 to i32
      %cond3A_166 = arith.constant 0 : i32
      %cond3A_167 = arith.cmpi ne, %convert_element_type3A_165, %cond3A_166 : i32
      scf.if %cond3A_167 {
        %scan3A_354 = arith.constant 0 : i32
        %scan3A_355 = arith.constant 0 : i32
        %scan3A_356 = arith.constant 48 : i32
        %scan3A_357 = arith.addi %scan3A_355, %scan3A_356 : i32
        %scan3A_358 = arith.constant 1 : i32
        scf.for %scan3A_360 = %scan3A_355 to %scan3A_357 step %scan3A_358  : i32 {
          %mul3A_361 = arith.constant 16 : i32
          %mul3A_362 = arith.muli %scan3A_360, %mul3A_361 : i32
          %get3A = arith.index_cast %select_n3A_155 : i32 to index
          %get3A_363 = arith.index_cast %mul3A_362 : i32 to index
          %get3A_364 = tpu.vector_load %arg6[%get3A, %get3A_363] {strides = array<i32>} : memref<24x768xf32, #tpu.memory_space<vmem>>, vector<1x16xf32>,
          %get3A_365 = vector.shape_cast %get3A_364 : vector<1x16xf32> to vector<16xf32>
          %parallel_loop3A = arith.constant 0 : i32
          %parallel_loop3A_366 = arith.constant 32 : i32
          %parallel_loop3A_367 = arith.constant 1 : i32
          scf.for %parallel_loop3A_368 = %parallel_loop3A to %parallel_loop3A_366 step %parallel_loop3A_367  : i32 {
            %parallel_loop3A_369 = arith.index_cast %parallel_loop3A_368 : i32 to index
            %parallel_loop3A_370 = arith.index_cast %mul3A_362 : i32 to index
            %parallel_loop3A_371 = tpu.vector_load %arg10[%parallel_loop3A_369, %parallel_loop3A_370] {strides = array<i32>} : memref<32x768xf32, #tpu.memory_space<vmem>>, vector<1x16xf32>,
            %parallel_loop3A_372 = vector.shape_cast %parallel_loop3A_371 : vector<1x16xf32> to vector<16xf32>
            %parallel_loop3A_373 = arith.addf %parallel_loop3A_372, %get3A_365 : vector<16xf32>
            %parallel_loop3A_374 = arith.index_cast %parallel_loop3A_368 : i32 to index
            %parallel_loop3A_375 = arith.index_cast %mul3A_362 : i32 to index
            %parallel_loop3A_376 = tpu.vector_load %arg12[%parallel_loop3A_374, %parallel_loop3A_375] {strides = array<i32>} : memref<32x768xf32, #tpu.memory_space<vmem>>, vector<1x16xf32>,
            %parallel_loop3A_377 = vector.shape_cast %parallel_loop3A_376 : vector<1x16xf32> to vector<16xf32>
            %parallel_loop3A_378 = vector.shape_cast %parallel_loop3A_373 : vector<16xf32> to vector<1x16xf32>
            tpu.vector_store %arg12[%parallel_loop3A_374, %parallel_loop3A_375], %parallel_loop3A_378 {strides = array<i32>} : memref<32x768xf32, #tpu.memory_space<vmem>>, vector<1x16xf32>,
          } {sc.loop_unroll_factor = 8 : i64, sc.parallel_access}
        }
        %scan3A_359 = arith.constant 48 : i32
      } else {
      }
      %eq3A = arith.constant 0 : i32
      %eq3A_168 = arith.cmpi eq, %add3A_131, %eq3A : i32
      %convert_element_type3A_169 = arith.extui %eq3A_168 : i1 to i32
      %cond3A_170 = arith.constant 0 : i32
      %cond3A_171 = arith.cmpi ne, %convert_element_type3A_169, %cond3A_170 : i32
      scf.if %cond3A_171 {
        %scan3A_354 = arith.constant 0 : i32
        %scan3A_355 = arith.constant 0 : i32
        %scan3A_356 = arith.constant 48 : i32
        %scan3A_357 = arith.addi %scan3A_355, %scan3A_356 : i32
        %scan3A_358 = arith.constant 1 : i32
        scf.for %scan3A_360 = %scan3A_355 to %scan3A_357 step %scan3A_358  : i32 {
          %mul3A_361 = arith.constant 16 : i32
          %mul3A_362 = arith.muli %scan3A_360, %mul3A_361 : i32
          %get3A = arith.constant 0 : i32
          %get3A_363 = arith.index_cast %get3A : i32 to index
          %get3A_364 = arith.index_cast %mul3A_362 : i32 to index
          %get3A_365 = tpu.vector_load %arg7[%get3A_363, %get3A_364] {strides = array<i32>} : memref<1x768xf32, #tpu.memory_space<vmem>>, vector<1x16xf32>,
          %get3A_366 = vector.shape_cast %get3A_365 : vector<1x16xf32> to vector<16xf32>
          %get3A_367 = arith.index_cast %select_n3A_155 : i32 to index
          %get3A_368 = arith.index_cast %mul3A_362 : i32 to index
          %get3A_369 = tpu.vector_load %arg6[%get3A_367, %get3A_368] {strides = array<i32>} : memref<24x768xf32, #tpu.memory_space<vmem>>, vector<1x16xf32>,
          %get3A_370 = vector.shape_cast %get3A_369 : vector<1x16xf32> to vector<16xf32>
          %add3A_371 = arith.addf %get3A_366, %get3A_370 : vector<16xf32>
          %parallel_loop3A = arith.constant 0 : i32
          %parallel_loop3A_372 = arith.constant 32 : i32
          %parallel_loop3A_373 = arith.constant 1 : i32
          scf.for %parallel_loop3A_374 = %parallel_loop3A to %parallel_loop3A_372 step %parallel_loop3A_373  : i32 {
            %parallel_loop3A_375 = arith.index_cast %parallel_loop3A_374 : i32 to index
            %parallel_loop3A_376 = arith.index_cast %mul3A_362 : i32 to index
            %parallel_loop3A_377 = tpu.vector_load %arg12[%parallel_loop3A_375, %parallel_loop3A_376] {strides = array<i32>} : memref<32x768xf32, #tpu.memory_space<vmem>>, vector<1x16xf32>,
            %parallel_loop3A_378 = vector.shape_cast %parallel_loop3A_377 : vector<1x16xf32> to vector<16xf32>
            %parallel_loop3A_379 = vector.shape_cast %add3A_371 : vector<16xf32> to vector<1x16xf32>
            tpu.vector_store %arg12[%parallel_loop3A_375, %parallel_loop3A_376], %parallel_loop3A_379 {strides = array<i32>} : memref<32x768xf32, #tpu.memory_space<vmem>>, vector<1x16xf32>,
          } {sc.loop_unroll_factor = 8 : i64, sc.parallel_access}
        }
        %scan3A_359 = arith.constant 48 : i32
      } else {
      }
      %jit3A_172 = arith.constant 2 : i32
      %div3A_173 = arith.divsi %add3A_113, %jit3A_172 : i32
      %sign3A_174 = arith.constant 0 : i32
      %sign3A_175 = arith.cmpi sgt, %add3A_113, %sign3A_174 : i32
      %sign3A_176 = arith.extui %sign3A_175 : i1 to i32
      %sign3A_177 = arith.constant 0 : i32
      %sign3A_178 = arith.cmpi slt, %add3A_113, %sign3A_177 : i32
      %sign3A_179 = arith.extui %sign3A_178 : i1 to i32
      %sign3A_180 = arith.subi %sign3A_176, %sign3A_179 : i32
      %sign3A_181 = arith.constant 0 : i32
      %sign3A_182 = arith.cmpi sgt, %jit3A_172, %sign3A_181 : i32
      %sign3A_183 = arith.extui %sign3A_182 : i1 to i32
      %sign3A_184 = arith.constant 0 : i32
      %sign3A_185 = arith.cmpi slt, %jit3A_172, %sign3A_184 : i32
      %sign3A_186 = arith.extui %sign3A_185 : i1 to i32
      %sign3A_187 = arith.subi %sign3A_183, %sign3A_186 : i32
      %ne3A_188 = arith.cmpi ne, %sign3A_180, %sign3A_187 : i32
      %rem3A_189 = arith.remsi %add3A_113, %jit3A_172 : i32
      %ne3A_190 = arith.constant 0 : i32
      %ne3A_191 = arith.cmpi ne, %rem3A_189, %ne3A_190 : i32
      %and3A_192 = arith.andi %ne3A_188, %ne3A_191 : i1
      %sub3A_193 = arith.constant 1 : i32
      %sub3A_194 = arith.subi %div3A_173, %sub3A_193 : i32
      %select_n3A_195 = arith.select %and3A_192, %sub3A_194, %div3A_173 : i32
      %add3A_196 = arith.addi %mul3A_2, %select_n3A_195 : i32
      %jit3A_197 = arith.constant 2 : i32
      %eq3A_198 = arith.constant 0 : i32
      %eq3A_199 = arith.cmpi eq, %jit3A_197, %eq3A_198 : i32
      %jit3A_200 = arith.constant 1 : i32
      %select_n3A_201 = arith.select %eq3A_199, %jit3A_200, %jit3A_197 : i32
      %rem3A_202 = arith.remsi %add3A_113, %select_n3A_201 : i32
      %ne3A_203 = arith.constant 0 : i32
      %ne3A_204 = arith.cmpi ne, %rem3A_202, %ne3A_203 : i32
      %lt3A = arith.constant 0 : i32
      %lt3A_205 = arith.cmpi slt, %rem3A_202, %lt3A : i32
      %lt3A_206 = arith.constant 0 : i32
      %lt3A_207 = arith.cmpi slt, %select_n3A_201, %lt3A_206 : i32
      %ne3A_208 = arith.xori %lt3A_205, %lt3A_207 : i1
      %and3A_209 = arith.andi %ne3A_208, %ne3A_204 : i1
      %add3A_210 = arith.addi %rem3A_202, %select_n3A_201 : i32
      %select_n3A_211 = arith.select %and3A_209, %add3A_210, %rem3A_202 : i32
      %mul3A_212 = arith.constant 32 : i32
      %mul3A_213 = arith.muli %select_n3A_211, %mul3A_212 : i32
      %dma_start3A_214 = arith.constant 0 : i32
      %dma_start3A_215 = tpu.memref_slice %arg5[%add3A_196, %mul3A_213, %dma_start3A_214] : memref<577x64x768xf32, #tpu.memory_space<hbm>> -> memref<1x32x768xf32, #tpu.memory_space<hbm>>
      %dma_start3A_216 = tpu.memref_squeeze %dma_start3A_215 : memref<1x32x768xf32, #tpu.memory_space<hbm>> -> memref<32x768xf32, #tpu.memory_space<hbm>>
      %dma_start3A_217 = arith.constant 0 : i32
      %dma_start3A_218 = tpu.memref_slice %arg5[%add3A_196, %mul3A_213, %dma_start3A_217] : memref<577x64x768xf32, #tpu.memory_space<hbm>> -> memref<1x32x768xf32, #tpu.memory_space<hbm>>
      %dma_start3A_219 = tpu.memref_squeeze %dma_start3A_218 : memref<1x32x768xf32, #tpu.memory_space<hbm>> -> memref<32x768xf32, #tpu.memory_space<hbm>>
      tpu.enqueue_dma source(%arg12 : memref<32x768xf32, #tpu.memory_space<vmem>>) target(%dma_start3A_219 : memref<32x768xf32, #tpu.memory_space<hbm>>) target_semaphore(%arg16 : memref<!tpu.dma_semaphore, #tpu.memory_space<semaphore_mem>>)
      %add3A_220 = arith.constant 2 : i32
      %add3A_221 = arith.addi %add3A_113, %add3A_220 : i32
      %lt3A_222 = arith.constant 36 : i32
      %lt3A_223 = arith.cmpi slt, %add3A_221, %lt3A_222 : i32
      %convert_element_type3A_224 = arith.extui %lt3A_223 : i1 to i32
      %cond3A_225 = arith.constant 0 : i32
      %cond3A_226 = arith.cmpi ne, %convert_element_type3A_224, %cond3A_225 : i32
      scf.if %cond3A_226 {
        %add3A_354 = arith.constant 2 : i32
        %add3A_355 = arith.addi %add3A_113, %add3A_354 : i32
        %jit3A_356 = arith.constant 2 : i32
        %div3A_357 = arith.divsi %add3A_355, %jit3A_356 : i32
        %sign3A_358 = arith.constant 0 : i32
        %sign3A_359 = arith.cmpi sgt, %add3A_355, %sign3A_358 : i32
        %sign3A_360 = arith.extui %sign3A_359 : i1 to i32
        %sign3A_361 = arith.constant 0 : i32
        %sign3A_362 = arith.cmpi slt, %add3A_355, %sign3A_361 : i32
        %sign3A_363 = arith.extui %sign3A_362 : i1 to i32
        %sign3A_364 = arith.subi %sign3A_360, %sign3A_363 : i32
        %sign3A_365 = arith.constant 0 : i32
        %sign3A_366 = arith.cmpi sgt, %jit3A_356, %sign3A_365 : i32
        %sign3A_367 = arith.extui %sign3A_366 : i1 to i32
        %sign3A_368 = arith.constant 0 : i32
        %sign3A_369 = arith.cmpi slt, %jit3A_356, %sign3A_368 : i32
        %sign3A_370 = arith.extui %sign3A_369 : i1 to i32
        %sign3A_371 = arith.subi %sign3A_367, %sign3A_370 : i32
        %ne3A_372 = arith.cmpi ne, %sign3A_364, %sign3A_371 : i32
        %rem3A_373 = arith.remsi %add3A_355, %jit3A_356 : i32
        %ne3A_374 = arith.constant 0 : i32
        %ne3A_375 = arith.cmpi ne, %rem3A_373, %ne3A_374 : i32
        %and3A_376 = arith.andi %ne3A_372, %ne3A_375 : i1
        %sub3A_377 = arith.constant 1 : i32
        %sub3A_378 = arith.subi %div3A_357, %sub3A_377 : i32
        %select_n3A_379 = arith.select %and3A_376, %sub3A_378, %div3A_357 : i32
        %add3A_380 = arith.addi %mul3A_2, %select_n3A_379 : i32
        %jit3A_381 = arith.constant 2 : i32
        %eq3A_382 = arith.constant 0 : i32
        %eq3A_383 = arith.cmpi eq, %jit3A_381, %eq3A_382 : i32
        %jit3A_384 = arith.constant 1 : i32
        %select_n3A_385 = arith.select %eq3A_383, %jit3A_384, %jit3A_381 : i32
        %rem3A_386 = arith.remsi %add3A_355, %select_n3A_385 : i32
        %ne3A_387 = arith.constant 0 : i32
        %ne3A_388 = arith.cmpi ne, %rem3A_386, %ne3A_387 : i32
        %lt3A_389 = arith.constant 0 : i32
        %lt3A_390 = arith.cmpi slt, %rem3A_386, %lt3A_389 : i32
        %lt3A_391 = arith.constant 0 : i32
        %lt3A_392 = arith.cmpi slt, %select_n3A_385, %lt3A_391 : i32
        %ne3A_393 = arith.xori %lt3A_390, %lt3A_392 : i1
        %and3A_394 = arith.andi %ne3A_393, %ne3A_388 : i1
        %add3A_395 = arith.addi %rem3A_386, %select_n3A_385 : i32
        %select_n3A_396 = arith.select %and3A_394, %add3A_395, %rem3A_386 : i32
        %mul3A_397 = arith.constant 18432 : i32
        %mul3A_398 = arith.muli %select_n3A_396, %mul3A_397 : i32
        %add3A_399 = arith.addi %mul3A_398, %add3A_380 : i32
        %sub3A_400 = arith.constant 1 : i32
        %sub3A_401 = arith.subi %add3A_399, %sub3A_400 : i32
        %add3A_402 = vector.broadcast %sub3A_401 : i32 to vector<16xi32>
        %add3A_403 = arith.addi %add3A_402, %mul3A_5 : vector<16xi32>
        %max3A_404 = arith.constant 0 : i32
        %max3A_405 = vector.broadcast %max3A_404 : i32 to vector<16xi32>
        %max3A_406 = arith.maxsi %add3A_403, %max3A_405 : vector<16xi32>
        %swap3A_407 = arith.constant 0 : index
        %swap3A_408 = tpu.vector_load %arg8[%swap3A_407] {strides = array<i32>} : memref<32xi32, #tpu.memory_space<vmem>>, vector<16xi32>,
        %swap3A_409 = vector.shape_cast %swap3A_408 : vector<16xi32> to vector<16xi32>
        %swap3A_410 = vector.shape_cast %max3A_406 : vector<16xi32> to vector<16xi32>
        tpu.vector_store %arg8[%swap3A_407], %swap3A_410 {strides = array<i32>} : memref<32xi32, #tpu.memory_space<vmem>>, vector<16xi32>,
        %add3A_411 = vector.broadcast %sub3A_401 : i32 to vector<16xi32>
        %add3A_412 = arith.addi %add3A_411, %mul3A_11 : vector<16xi32>
        %swap3A_413 = arith.constant 16 : index
        %swap3A_414 = tpu.vector_load %arg8[%swap3A_413] {strides = array<i32>} : memref<32xi32, #tpu.memory_space<vmem>>, vector<16xi32>,
        %swap3A_415 = vector.shape_cast %swap3A_414 : vector<16xi32> to vector<16xi32>
        %swap3A_416 = vector.shape_cast %add3A_412 : vector<16xi32> to vector<16xi32>
        tpu.vector_store %arg8[%swap3A_413], %swap3A_416 {strides = array<i32>} : memref<32xi32, #tpu.memory_space<vmem>>, vector<16xi32>,
        %dma_start3A_417 = arith.constant 0 : i32
        %dma_start3A_418 = arith.constant 0 : i32
        %dma_start3A_419 = tpu.memref_slice %arg2[%dma_start3A_417, %dma_start3A_418] : memref<36864x768xf32, #tpu.memory_space<hbm>> -> memref<36864x768xf32, #tpu.memory_space<hbm>>
        tpu.enqueue_indirect_dma source(%dma_start3A_419 : memref<36864x768xf32, #tpu.memory_space<hbm>>) target(%arg10 : memref<32x768xf32, #tpu.memory_space<vmem>>) offsets(%arg8 : memref<32xi32, #tpu.memory_space<vmem>>) semaphore(%arg14 : memref<!tpu.dma_semaphore, #tpu.memory_space<semaphore_mem>>)
      } else {
      }
      %mul3A_227 = arith.constant 2 : i32
      %mul3A_228 = arith.muli %scan3A_109, %mul3A_227 : i32
      %add3A_229 = arith.constant 1 : i32
      %add3A_230 = arith.addi %mul3A_228, %add3A_229 : i32
      %jit3A_231 = arith.constant 2 : i32
      %div3A_232 = arith.divsi %add3A_230, %jit3A_231 : i32
      %sign3A_233 = arith.constant 0 : i32
      %sign3A_234 = arith.cmpi sgt, %add3A_230, %sign3A_233 : i32
      %sign3A_235 = arith.extui %sign3A_234 : i1 to i32
      %sign3A_236 = arith.constant 0 : i32
      %sign3A_237 = arith.cmpi slt, %add3A_230, %sign3A_236 : i32
      %sign3A_238 = arith.extui %sign3A_237 : i1 to i32
      %sign3A_239 = arith.subi %sign3A_235, %sign3A_238 : i32
      %sign3A_240 = arith.constant 0 : i32
      %sign3A_241 = arith.cmpi sgt, %jit3A_231, %sign3A_240 : i32
      %sign3A_242 = arith.extui %sign3A_241 : i1 to i32
      %sign3A_243 = arith.constant 0 : i32
      %sign3A_244 = arith.cmpi slt, %jit3A_231, %sign3A_243 : i32
      %sign3A_245 = arith.extui %sign3A_244 : i1 to i32
      %sign3A_246 = arith.subi %sign3A_242, %sign3A_245 : i32
      %ne3A_247 = arith.cmpi ne, %sign3A_239, %sign3A_246 : i32
      %rem3A_248 = arith.remsi %add3A_230, %jit3A_231 : i32
      %ne3A_249 = arith.constant 0 : i32
      %ne3A_250 = arith.cmpi ne, %rem3A_248, %ne3A_249 : i32
      %and3A_251 = arith.andi %ne3A_247, %ne3A_250 : i1
      %sub3A_252 = arith.constant 1 : i32
      %sub3A_253 = arith.subi %div3A_232, %sub3A_252 : i32
      %select_n3A_254 = arith.select %and3A_251, %sub3A_253, %div3A_232 : i32
      %add3A_255 = arith.addi %mul3A_2, %select_n3A_254 : i32
      %jit3A_256 = arith.constant 2 : i32
      %div3A_257 = arith.divsi %add3A_230, %jit3A_256 : i32
      %sign3A_258 = arith.constant 0 : i32
      %sign3A_259 = arith.cmpi sgt, %add3A_230, %sign3A_258 : i32
      %sign3A_260 = arith.extui %sign3A_259 : i1 to i32
      %sign3A_261 = arith.constant 0 : i32
      %sign3A_262 = arith.cmpi slt, %add3A_230, %sign3A_261 : i32
      %sign3A_263 = arith.extui %sign3A_262 : i1 to i32
      %sign3A_264 = arith.subi %sign3A_260, %sign3A_263 : i32
      %sign3A_265 = arith.constant 0 : i32
      %sign3A_266 = arith.cmpi sgt, %jit3A_256, %sign3A_265 : i32
      %sign3A_267 = arith.extui %sign3A_266 : i1 to i32
      %sign3A_268 = arith.constant 0 : i32
      %sign3A_269 = arith.cmpi slt, %jit3A_256, %sign3A_268 : i32
      %sign3A_270 = arith.extui %sign3A_269 : i1 to i32
      %sign3A_271 = arith.subi %sign3A_267, %sign3A_270 : i32
      %ne3A_272 = arith.cmpi ne, %sign3A_264, %sign3A_271 : i32
      %rem3A_273 = arith.remsi %add3A_230, %jit3A_256 : i32
      %ne3A_274 = arith.constant 0 : i32
      %ne3A_275 = arith.cmpi ne, %rem3A_273, %ne3A_274 : i32
      %and3A_276 = arith.andi %ne3A_272, %ne3A_275 : i1
      %sub3A_277 = arith.constant 1 : i32
      %sub3A_278 = arith.subi %div3A_257, %sub3A_277 : i32
      %select_n3A_279 = arith.select %and3A_276, %sub3A_278, %div3A_257 : i32
      %dma_wait3A_280 = arith.constant 0 : i32
      %dma_wait3A_281 = arith.constant 0 : i32
      %dma_wait3A_282 = tpu.memref_slice %arg2[%dma_wait3A_280, %dma_wait3A_281] : memref<36864x768xf32, #tpu.memory_space<hbm>> -> memref<36864x768xf32, #tpu.memory_space<hbm>>
      tpu.wait_indirect_dma semaphore(%arg15 : memref<!tpu.dma_semaphore, #tpu.memory_space<semaphore_mem>>) src(%dma_wait3A_282 : memref<36864x768xf32, #tpu.memory_space<hbm>>) dst(%arg11 : memref<32x768xf32, #tpu.memory_space<vmem>>)
      %gt3A_283 = arith.constant 0 : i32
      %gt3A_284 = arith.cmpi sgt, %scan3A_109, %gt3A_283 : i32
      %convert_element_type3A_285 = arith.extui %gt3A_284 : i1 to i32
      %cond3A_286 = arith.constant 0 : i32
      %cond3A_287 = arith.cmpi ne, %convert_element_type3A_285, %cond3A_286 : i32
      scf.if %cond3A_287 {
        %dma_wait3A_354 = arith.constant 0 : i32
        %dma_wait3A_355 = arith.constant 0 : i32
        %dma_wait3A_356 = arith.constant 0 : i32
        %dma_wait3A_357 = tpu.memref_slice %arg5[%dma_wait3A_354, %dma_wait3A_355, %dma_wait3A_356] : memref<577x64x768xf32, #tpu.memory_space<hbm>> -> memref<1x32x768xf32, #tpu.memory_space<hbm>>
        %dma_wait3A_358 = tpu.memref_squeeze %dma_wait3A_357 : memref<1x32x768xf32, #tpu.memory_space<hbm>> -> memref<32x768xf32, #tpu.memory_space<hbm>>
        %dma_wait3A_359 = arith.constant 0 : i32
        %dma_wait3A_360 = arith.constant 0 : i32
        %dma_wait3A_361 = tpu.memref_slice %arg5[%dma_wait3A_354, %dma_wait3A_359, %dma_wait3A_360] : memref<577x64x768xf32, #tpu.memory_space<hbm>> -> memref<1x32x768xf32, #tpu.memory_space<hbm>>
        %dma_wait3A_362 = tpu.memref_squeeze %dma_wait3A_361 : memref<1x32x768xf32, #tpu.memory_space<hbm>> -> memref<32x768xf32, #tpu.memory_space<hbm>>
        tpu.wait_dma2 semaphore(%arg17 : memref<!tpu.dma_semaphore, #tpu.memory_space<semaphore_mem>>) src(%arg13 : memref<32x768xf32, #tpu.memory_space<vmem>>) dst(%dma_wait3A_362 : memref<32x768xf32, #tpu.memory_space<hbm>>)
      } else {
      }
      %gt3A_288 = arith.constant 0 : i32
      %gt3A_289 = arith.cmpi sgt, %add3A_255, %gt3A_288 : i32
      %convert_element_type3A_290 = arith.extui %gt3A_289 : i1 to i32
      %cond3A_291 = arith.constant 0 : i32
      %cond3A_292 = arith.cmpi ne, %convert_element_type3A_290, %cond3A_291 : i32
      scf.if %cond3A_292 {
        %scan3A_354 = arith.constant 0 : i32
        %scan3A_355 = arith.constant 0 : i32
        %scan3A_356 = arith.constant 48 : i32
        %scan3A_357 = arith.addi %scan3A_355, %scan3A_356 : i32
        %scan3A_358 = arith.constant 1 : i32
        scf.for %scan3A_360 = %scan3A_355 to %scan3A_357 step %scan3A_358  : i32 {
          %mul3A_361 = arith.constant 16 : i32
          %mul3A_362 = arith.muli %scan3A_360, %mul3A_361 : i32
          %get3A = arith.index_cast %select_n3A_279 : i32 to index
          %get3A_363 = arith.index_cast %mul3A_362 : i32 to index
          %get3A_364 = tpu.vector_load %arg6[%get3A, %get3A_363] {strides = array<i32>} : memref<24x768xf32, #tpu.memory_space<vmem>>, vector<1x16xf32>,
          %get3A_365 = vector.shape_cast %get3A_364 : vector<1x16xf32> to vector<16xf32>
          %parallel_loop3A = arith.constant 0 : i32
          %parallel_loop3A_366 = arith.constant 32 : i32
          %parallel_loop3A_367 = arith.constant 1 : i32
          scf.for %parallel_loop3A_368 = %parallel_loop3A to %parallel_loop3A_366 step %parallel_loop3A_367  : i32 {
            %parallel_loop3A_369 = arith.index_cast %parallel_loop3A_368 : i32 to index
            %parallel_loop3A_370 = arith.index_cast %mul3A_362 : i32 to index
            %parallel_loop3A_371 = tpu.vector_load %arg11[%parallel_loop3A_369, %parallel_loop3A_370] {strides = array<i32>} : memref<32x768xf32, #tpu.memory_space<vmem>>, vector<1x16xf32>,
            %parallel_loop3A_372 = vector.shape_cast %parallel_loop3A_371 : vector<1x16xf32> to vector<16xf32>
            %parallel_loop3A_373 = arith.addf %parallel_loop3A_372, %get3A_365 : vector<16xf32>
            %parallel_loop3A_374 = arith.index_cast %parallel_loop3A_368 : i32 to index
            %parallel_loop3A_375 = arith.index_cast %mul3A_362 : i32 to index
            %parallel_loop3A_376 = tpu.vector_load %arg13[%parallel_loop3A_374, %parallel_loop3A_375] {strides = array<i32>} : memref<32x768xf32, #tpu.memory_space<vmem>>, vector<1x16xf32>,
            %parallel_loop3A_377 = vector.shape_cast %parallel_loop3A_376 : vector<1x16xf32> to vector<16xf32>
            %parallel_loop3A_378 = vector.shape_cast %parallel_loop3A_373 : vector<16xf32> to vector<1x16xf32>
            tpu.vector_store %arg13[%parallel_loop3A_374, %parallel_loop3A_375], %parallel_loop3A_378 {strides = array<i32>} : memref<32x768xf32, #tpu.memory_space<vmem>>, vector<1x16xf32>,
          } {sc.loop_unroll_factor = 8 : i64, sc.parallel_access}
        }
        %scan3A_359 = arith.constant 48 : i32
      } else {
      }
      %eq3A_293 = arith.constant 0 : i32
      %eq3A_294 = arith.cmpi eq, %add3A_255, %eq3A_293 : i32
      %convert_element_type3A_295 = arith.extui %eq3A_294 : i1 to i32
      %cond3A_296 = arith.constant 0 : i32
      %cond3A_297 = arith.cmpi ne, %convert_element_type3A_295, %cond3A_296 : i32
      scf.if %cond3A_297 {
        %scan3A_354 = arith.constant 0 : i32
        %scan3A_355 = arith.constant 0 : i32
        %scan3A_356 = arith.constant 48 : i32
        %scan3A_357 = arith.addi %scan3A_355, %scan3A_356 : i32
        %scan3A_358 = arith.constant 1 : i32
        scf.for %scan3A_360 = %scan3A_355 to %scan3A_357 step %scan3A_358  : i32 {
          %mul3A_361 = arith.constant 16 : i32
          %mul3A_362 = arith.muli %scan3A_360, %mul3A_361 : i32
          %get3A = arith.constant 0 : i32
          %get3A_363 = arith.index_cast %get3A : i32 to index
          %get3A_364 = arith.index_cast %mul3A_362 : i32 to index
          %get3A_365 = tpu.vector_load %arg7[%get3A_363, %get3A_364] {strides = array<i32>} : memref<1x768xf32, #tpu.memory_space<vmem>>, vector<1x16xf32>,
          %get3A_366 = vector.shape_cast %get3A_365 : vector<1x16xf32> to vector<16xf32>
          %get3A_367 = arith.index_cast %select_n3A_279 : i32 to index
          %get3A_368 = arith.index_cast %mul3A_362 : i32 to index
          %get3A_369 = tpu.vector_load %arg6[%get3A_367, %get3A_368] {strides = array<i32>} : memref<24x768xf32, #tpu.memory_space<vmem>>, vector<1x16xf32>,
          %get3A_370 = vector.shape_cast %get3A_369 : vector<1x16xf32> to vector<16xf32>
          %add3A_371 = arith.addf %get3A_366, %get3A_370 : vector<16xf32>
          %parallel_loop3A = arith.constant 0 : i32
          %parallel_loop3A_372 = arith.constant 32 : i32
          %parallel_loop3A_373 = arith.constant 1 : i32
          scf.for %parallel_loop3A_374 = %parallel_loop3A to %parallel_loop3A_372 step %parallel_loop3A_373  : i32 {
            %parallel_loop3A_375 = arith.index_cast %parallel_loop3A_374 : i32 to index
            %parallel_loop3A_376 = arith.index_cast %mul3A_362 : i32 to index
            %parallel_loop3A_377 = tpu.vector_load %arg13[%parallel_loop3A_375, %parallel_loop3A_376] {strides = array<i32>} : memref<32x768xf32, #tpu.memory_space<vmem>>, vector<1x16xf32>,
            %parallel_loop3A_378 = vector.shape_cast %parallel_loop3A_377 : vector<1x16xf32> to vector<16xf32>
            %parallel_loop3A_379 = vector.shape_cast %add3A_371 : vector<16xf32> to vector<1x16xf32>
            tpu.vector_store %arg13[%parallel_loop3A_375, %parallel_loop3A_376], %parallel_loop3A_379 {strides = array<i32>} : memref<32x768xf32, #tpu.memory_space<vmem>>, vector<1x16xf32>,
          } {sc.loop_unroll_factor = 8 : i64, sc.parallel_access}
        }
        %scan3A_359 = arith.constant 48 : i32
      } else {
      }
      %jit3A_298 = arith.constant 2 : i32
      %div3A_299 = arith.divsi %add3A_230, %jit3A_298 : i32
      %sign3A_300 = arith.constant 0 : i32
      %sign3A_301 = arith.cmpi sgt, %add3A_230, %sign3A_300 : i32
      %sign3A_302 = arith.extui %sign3A_301 : i1 to i32
      %sign3A_303 = arith.constant 0 : i32
      %sign3A_304 = arith.cmpi slt, %add3A_230, %sign3A_303 : i32
      %sign3A_305 = arith.extui %sign3A_304 : i1 to i32
      %sign3A_306 = arith.subi %sign3A_302, %sign3A_305 : i32
      %sign3A_307 = arith.constant 0 : i32
      %sign3A_308 = arith.cmpi sgt, %jit3A_298, %sign3A_307 : i32
      %sign3A_309 = arith.extui %sign3A_308 : i1 to i32
      %sign3A_310 = arith.constant 0 : i32
      %sign3A_311 = arith.cmpi slt, %jit3A_298, %sign3A_310 : i32
      %sign3A_312 = arith.extui %sign3A_311 : i1 to i32
      %sign3A_313 = arith.subi %sign3A_309, %sign3A_312 : i32
      %ne3A_314 = arith.cmpi ne, %sign3A_306, %sign3A_313 : i32
      %rem3A_315 = arith.remsi %add3A_230, %jit3A_298 : i32
      %ne3A_316 = arith.constant 0 : i32
      %ne3A_317 = arith.cmpi ne, %rem3A_315, %ne3A_316 : i32
      %and3A_318 = arith.andi %ne3A_314, %ne3A_317 : i1
      %sub3A_319 = arith.constant 1 : i32
      %sub3A_320 = arith.subi %div3A_299, %sub3A_319 : i32
      %select_n3A_321 = arith.select %and3A_318, %sub3A_320, %div3A_299 : i32
      %add3A_322 = arith.addi %mul3A_2, %select_n3A_321 : i32
      %jit3A_323 = arith.constant 2 : i32
      %eq3A_324 = arith.constant 0 : i32
      %eq3A_325 = arith.cmpi eq, %jit3A_323, %eq3A_324 : i32
      %jit3A_326 = arith.constant 1 : i32
      %select_n3A_327 = arith.select %eq3A_325, %jit3A_326, %jit3A_323 : i32
      %rem3A_328 = arith.remsi %add3A_230, %select_n3A_327 : i32
      %ne3A_329 = arith.constant 0 : i32
      %ne3A_330 = arith.cmpi ne, %rem3A_328, %ne3A_329 : i32
      %lt3A_331 = arith.constant 0 : i32
      %lt3A_332 = arith.cmpi slt, %rem3A_328, %lt3A_331 : i32
      %lt3A_333 = arith.constant 0 : i32
      %lt3A_334 = arith.cmpi slt, %select_n3A_327, %lt3A_333 : i32
      %ne3A_335 = arith.xori %lt3A_332, %lt3A_334 : i1
      %and3A_336 = arith.andi %ne3A_335, %ne3A_330 : i1
      %add3A_337 = arith.addi %rem3A_328, %select_n3A_327 : i32
      %select_n3A_338 = arith.select %and3A_336, %add3A_337, %rem3A_328 : i32
      %mul3A_339 = arith.constant 32 : i32
      %mul3A_340 = arith.muli %select_n3A_338, %mul3A_339 : i32
      %dma_start3A_341 = arith.constant 0 : i32
      %dma_start3A_342 = tpu.memref_slice %arg5[%add3A_322, %mul3A_340, %dma_start3A_341] : memref<577x64x768xf32, #tpu.memory_space<hbm>> -> memref<1x32x768xf32, #tpu.memory_space<hbm>>
      %dma_start3A_343 = tpu.memref_squeeze %dma_start3A_342 : memref<1x32x768xf32, #tpu.memory_space<hbm>> -> memref<32x768xf32, #tpu.memory_space<hbm>>
      %dma_start3A_344 = arith.constant 0 : i32
      %dma_start3A_345 = tpu.memref_slice %arg5[%add3A_322, %mul3A_340, %dma_start3A_344] : memref<577x64x768xf32, #tpu.memory_space<hbm>> -> memref<1x32x768xf32, #tpu.memory_space<hbm>>
      %dma_start3A_346 = tpu.memref_squeeze %dma_start3A_345 : memref<1x32x768xf32, #tpu.memory_space<hbm>> -> memref<32x768xf32, #tpu.memory_space<hbm>>
      tpu.enqueue_dma source(%arg13 : memref<32x768xf32, #tpu.memory_space<vmem>>) target(%dma_start3A_346 : memref<32x768xf32, #tpu.memory_space<hbm>>) target_semaphore(%arg17 : memref<!tpu.dma_semaphore, #tpu.memory_space<semaphore_mem>>)
      %add3A_347 = arith.constant 2 : i32
      %add3A_348 = arith.addi %add3A_230, %add3A_347 : i32
      %lt3A_349 = arith.constant 36 : i32
      %lt3A_350 = arith.cmpi slt, %add3A_348, %lt3A_349 : i32
      %convert_element_type3A_351 = arith.extui %lt3A_350 : i1 to i32
      %cond3A_352 = arith.constant 0 : i32
      %cond3A_353 = arith.cmpi ne, %convert_element_type3A_351, %cond3A_352 : i32
      scf.if %cond3A_353 {
        %add3A_354 = arith.constant 2 : i32
        %add3A_355 = arith.addi %add3A_230, %add3A_354 : i32
        %jit3A_356 = arith.constant 2 : i32
        %div3A_357 = arith.divsi %add3A_355, %jit3A_356 : i32
        %sign3A_358 = arith.constant 0 : i32
        %sign3A_359 = arith.cmpi sgt, %add3A_355, %sign3A_358 : i32
        %sign3A_360 = arith.extui %sign3A_359 : i1 to i32
        %sign3A_361 = arith.constant 0 : i32
        %sign3A_362 = arith.cmpi slt, %add3A_355, %sign3A_361 : i32
        %sign3A_363 = arith.extui %sign3A_362 : i1 to i32
        %sign3A_364 = arith.subi %sign3A_360, %sign3A_363 : i32
        %sign3A_365 = arith.constant 0 : i32
        %sign3A_366 = arith.cmpi sgt, %jit3A_356, %sign3A_365 : i32
        %sign3A_367 = arith.extui %sign3A_366 : i1 to i32
        %sign3A_368 = arith.constant 0 : i32
        %sign3A_369 = arith.cmpi slt, %jit3A_356, %sign3A_368 : i32
        %sign3A_370 = arith.extui %sign3A_369 : i1 to i32
        %sign3A_371 = arith.subi %sign3A_367, %sign3A_370 : i32
        %ne3A_372 = arith.cmpi ne, %sign3A_364, %sign3A_371 : i32
        %rem3A_373 = arith.remsi %add3A_355, %jit3A_356 : i32
        %ne3A_374 = arith.constant 0 : i32
        %ne3A_375 = arith.cmpi ne, %rem3A_373, %ne3A_374 : i32
        %and3A_376 = arith.andi %ne3A_372, %ne3A_375 : i1
        %sub3A_377 = arith.constant 1 : i32
        %sub3A_378 = arith.subi %div3A_357, %sub3A_377 : i32
        %select_n3A_379 = arith.select %and3A_376, %sub3A_378, %div3A_357 : i32
        %add3A_380 = arith.addi %mul3A_2, %select_n3A_379 : i32
        %jit3A_381 = arith.constant 2 : i32
        %eq3A_382 = arith.constant 0 : i32
        %eq3A_383 = arith.cmpi eq, %jit3A_381, %eq3A_382 : i32
        %jit3A_384 = arith.constant 1 : i32
        %select_n3A_385 = arith.select %eq3A_383, %jit3A_384, %jit3A_381 : i32
        %rem3A_386 = arith.remsi %add3A_355, %select_n3A_385 : i32
        %ne3A_387 = arith.constant 0 : i32
        %ne3A_388 = arith.cmpi ne, %rem3A_386, %ne3A_387 : i32
        %lt3A_389 = arith.constant 0 : i32
        %lt3A_390 = arith.cmpi slt, %rem3A_386, %lt3A_389 : i32
        %lt3A_391 = arith.constant 0 : i32
        %lt3A_392 = arith.cmpi slt, %select_n3A_385, %lt3A_391 : i32
        %ne3A_393 = arith.xori %lt3A_390, %lt3A_392 : i1
        %and3A_394 = arith.andi %ne3A_393, %ne3A_388 : i1
        %add3A_395 = arith.addi %rem3A_386, %select_n3A_385 : i32
        %select_n3A_396 = arith.select %and3A_394, %add3A_395, %rem3A_386 : i32
        %mul3A_397 = arith.constant 18432 : i32
        %mul3A_398 = arith.muli %select_n3A_396, %mul3A_397 : i32
        %add3A_399 = arith.addi %mul3A_398, %add3A_380 : i32
        %sub3A_400 = arith.constant 1 : i32
        %sub3A_401 = arith.subi %add3A_399, %sub3A_400 : i32
        %add3A_402 = vector.broadcast %sub3A_401 : i32 to vector<16xi32>
        %add3A_403 = arith.addi %add3A_402, %mul3A_5 : vector<16xi32>
        %max3A_404 = arith.constant 0 : i32
        %max3A_405 = vector.broadcast %max3A_404 : i32 to vector<16xi32>
        %max3A_406 = arith.maxsi %add3A_403, %max3A_405 : vector<16xi32>
        %swap3A_407 = arith.constant 0 : index
        %swap3A_408 = tpu.vector_load %arg9[%swap3A_407] {strides = array<i32>} : memref<32xi32, #tpu.memory_space<vmem>>, vector<16xi32>,
        %swap3A_409 = vector.shape_cast %swap3A_408 : vector<16xi32> to vector<16xi32>
        %swap3A_410 = vector.shape_cast %max3A_406 : vector<16xi32> to vector<16xi32>
        tpu.vector_store %arg9[%swap3A_407], %swap3A_410 {strides = array<i32>} : memref<32xi32, #tpu.memory_space<vmem>>, vector<16xi32>,
        %add3A_411 = vector.broadcast %sub3A_401 : i32 to vector<16xi32>
        %add3A_412 = arith.addi %add3A_411, %mul3A_11 : vector<16xi32>
        %swap3A_413 = arith.constant 16 : index
        %swap3A_414 = tpu.vector_load %arg9[%swap3A_413] {strides = array<i32>} : memref<32xi32, #tpu.memory_space<vmem>>, vector<16xi32>,
        %swap3A_415 = vector.shape_cast %swap3A_414 : vector<16xi32> to vector<16xi32>
        %swap3A_416 = vector.shape_cast %add3A_412 : vector<16xi32> to vector<16xi32>
        tpu.vector_store %arg9[%swap3A_413], %swap3A_416 {strides = array<i32>} : memref<32xi32, #tpu.memory_space<vmem>>, vector<16xi32>,
        %dma_start3A_417 = arith.constant 0 : i32
        %dma_start3A_418 = arith.constant 0 : i32
        %dma_start3A_419 = tpu.memref_slice %arg2[%dma_start3A_417, %dma_start3A_418] : memref<36864x768xf32, #tpu.memory_space<hbm>> -> memref<36864x768xf32, #tpu.memory_space<hbm>>
        tpu.enqueue_indirect_dma source(%dma_start3A_419 : memref<36864x768xf32, #tpu.memory_space<hbm>>) target(%arg11 : memref<32x768xf32, #tpu.memory_space<vmem>>) offsets(%arg9 : memref<32xi32, #tpu.memory_space<vmem>>) semaphore(%arg15 : memref<!tpu.dma_semaphore, #tpu.memory_space<semaphore_mem>>)
      } else {
      }
    }
    %scan3A_88 = arith.constant 18 : i32
    %dma_wait3A_89 = arith.constant 0 : i32
    %dma_wait3A_90 = arith.constant 0 : i32
    %dma_wait3A_91 = arith.constant 0 : i32
    %dma_wait3A_92 = tpu.memref_slice %arg5[%dma_wait3A_89, %dma_wait3A_90, %dma_wait3A_91] : memref<577x64x768xf32, #tpu.memory_space<hbm>> -> memref<1x32x768xf32, #tpu.memory_space<hbm>>
    %dma_wait3A_93 = tpu.memref_squeeze %dma_wait3A_92 : memref<1x32x768xf32, #tpu.memory_space<hbm>> -> memref<32x768xf32, #tpu.memory_space<hbm>>
    %dma_wait3A_94 = arith.constant 0 : i32
    %dma_wait3A_95 = arith.constant 0 : i32
    %dma_wait3A_96 = tpu.memref_slice %arg5[%dma_wait3A_89, %dma_wait3A_94, %dma_wait3A_95] : memref<577x64x768xf32, #tpu.memory_space<hbm>> -> memref<1x32x768xf32, #tpu.memory_space<hbm>>
    %dma_wait3A_97 = tpu.memref_squeeze %dma_wait3A_96 : memref<1x32x768xf32, #tpu.memory_space<hbm>> -> memref<32x768xf32, #tpu.memory_space<hbm>>
    tpu.wait_dma2 semaphore(%arg16 : memref<!tpu.dma_semaphore, #tpu.memory_space<semaphore_mem>>) src(%arg12 : memref<32x768xf32, #tpu.memory_space<vmem>>) dst(%dma_wait3A_97 : memref<32x768xf32, #tpu.memory_space<hbm>>)
    %dma_wait3A_98 = arith.constant 0 : i32
    %dma_wait3A_99 = arith.constant 0 : i32
    %dma_wait3A_100 = arith.constant 0 : i32
    %dma_wait3A_101 = tpu.memref_slice %arg5[%dma_wait3A_98, %dma_wait3A_99, %dma_wait3A_100] : memref<577x64x768xf32, #tpu.memory_space<hbm>> -> memref<1x32x768xf32, #tpu.memory_space<hbm>>
    %dma_wait3A_102 = tpu.memref_squeeze %dma_wait3A_101 : memref<1x32x768xf32, #tpu.memory_space<hbm>> -> memref<32x768xf32, #tpu.memory_space<hbm>>
    %dma_wait3A_103 = arith.constant 0 : i32
    %dma_wait3A_104 = arith.constant 0 : i32
    %dma_wait3A_105 = tpu.memref_slice %arg5[%dma_wait3A_98, %dma_wait3A_103, %dma_wait3A_104] : memref<577x64x768xf32, #tpu.memory_space<hbm>> -> memref<1x32x768xf32, #tpu.memory_space<hbm>>
    %dma_wait3A_106 = tpu.memref_squeeze %dma_wait3A_105 : memref<1x32x768xf32, #tpu.memory_space<hbm>> -> memref<32x768xf32, #tpu.memory_space<hbm>>
    tpu.wait_dma2 semaphore(%arg17 : memref<!tpu.dma_semaphore, #tpu.memory_space<semaphore_mem>>) src(%arg13 : memref<32x768xf32, #tpu.memory_space<vmem>>) dst(%dma_wait3A_106 : memref<32x768xf32, #tpu.memory_space<hbm>>)
    %ge3A = arith.constant 30 : i32
    %ge3A_107 = arith.cmpi sge, %add3A, %ge3A : i32
    %convert_element_type3A = arith.extui %ge3A_107 : i1 to i32
    %cond3A = arith.constant 0 : i32
    %cond3A_108 = arith.cmpi ne, %convert_element_type3A, %cond3A : i32
    scf.if %cond3A_108 {
      %sub3A_109 = arith.constant 30 : i32
      %sub3A_110 = arith.subi %add3A, %sub3A_109 : i32
      %mul3A_111 = arith.constant 18432 : i32
      %mul3A_112 = arith.muli %sub3A_110, %mul3A_111 : i32
      %add3A_113 = arith.constant 576 : i32
      %add3A_114 = arith.addi %mul3A_112, %add3A_113 : i32
      %sub3A_115 = arith.constant 1 : i32
      %sub3A_116 = arith.subi %add3A_114, %sub3A_115 : i32
      %add3A_117 = vector.broadcast %sub3A_116 : i32 to vector<16xi32>
      %add3A_118 = arith.addi %add3A_117, %mul3A_5 : vector<16xi32>
      %swap3A_119 = arith.constant 0 : index
      %swap3A_120 = tpu.vector_load %arg8[%swap3A_119] {strides = array<i32>} : memref<32xi32, #tpu.memory_space<vmem>>, vector<16xi32>,
      %swap3A_121 = vector.shape_cast %swap3A_120 : vector<16xi32> to vector<16xi32>
      %swap3A_122 = vector.shape_cast %add3A_118 : vector<16xi32> to vector<16xi32>
      tpu.vector_store %arg8[%swap3A_119], %swap3A_122 {strides = array<i32>} : memref<32xi32, #tpu.memory_space<vmem>>, vector<16xi32>,
      %add3A_123 = vector.broadcast %sub3A_116 : i32 to vector<16xi32>
      %add3A_124 = arith.addi %add3A_123, %mul3A_11 : vector<16xi32>
      %swap3A_125 = arith.constant 16 : index
      %swap3A_126 = tpu.vector_load %arg8[%swap3A_125] {strides = array<i32>} : memref<32xi32, #tpu.memory_space<vmem>>, vector<16xi32>,
      %swap3A_127 = vector.shape_cast %swap3A_126 : vector<16xi32> to vector<16xi32>
      %swap3A_128 = vector.shape_cast %add3A_124 : vector<16xi32> to vector<16xi32>
      tpu.vector_store %arg8[%swap3A_125], %swap3A_128 {strides = array<i32>} : memref<32xi32, #tpu.memory_space<vmem>>, vector<16xi32>,
      %dma_start3A_129 = arith.constant 0 : i32
      %dma_start3A_130 = arith.constant 0 : i32
      %dma_start3A_131 = tpu.memref_slice %arg2[%dma_start3A_129, %dma_start3A_130] : memref<36864x768xf32, #tpu.memory_space<hbm>> -> memref<36864x768xf32, #tpu.memory_space<hbm>>
      tpu.enqueue_indirect_dma source(%dma_start3A_131 : memref<36864x768xf32, #tpu.memory_space<hbm>>) target(%arg10 : memref<32x768xf32, #tpu.memory_space<vmem>>) offsets(%arg8 : memref<32xi32, #tpu.memory_space<vmem>>) semaphore(%arg14 : memref<!tpu.dma_semaphore, #tpu.memory_space<semaphore_mem>>)
      %dma_wait3A_132 = arith.constant 0 : i32
      %dma_wait3A_133 = arith.constant 0 : i32
      %dma_wait3A_134 = tpu.memref_slice %arg2[%dma_wait3A_132, %dma_wait3A_133] : memref<36864x768xf32, #tpu.memory_space<hbm>> -> memref<36864x768xf32, #tpu.memory_space<hbm>>
      tpu.wait_indirect_dma semaphore(%arg14 : memref<!tpu.dma_semaphore, #tpu.memory_space<semaphore_mem>>) src(%dma_wait3A_134 : memref<36864x768xf32, #tpu.memory_space<hbm>>) dst(%arg10 : memref<32x768xf32, #tpu.memory_space<vmem>>)
      "tpu.region"() ({
        %run_scoped3A_143 = tpu.sem_alloc : memref<!tpu.dma_semaphore, #tpu.memory_space<semaphore_mem>>
        %dma_start3A_144 = arith.constant 576 : i32
        %dma_start3A_145 = arith.constant 0 : i32
        %dma_start3A_146 = tpu.memref_slice %arg4[%dma_start3A_144, %dma_start3A_145] : memref<577x768xf32, #tpu.memory_space<hbm>> -> memref<1x768xf32, #tpu.memory_space<hbm>>
        %dma_start3A_147 = arith.constant 576 : i32
        %dma_start3A_148 = arith.constant 0 : i32
        %dma_start3A_149 = tpu.memref_slice %arg4[%dma_start3A_147, %dma_start3A_148] : memref<577x768xf32, #tpu.memory_space<hbm>> -> memref<1x768xf32, #tpu.memory_space<hbm>>
        tpu.enqueue_dma source(%dma_start3A_149 : memref<1x768xf32, #tpu.memory_space<hbm>>) target(%arg7 : memref<1x768xf32, #tpu.memory_space<vmem>>) target_semaphore(%run_scoped3A_143 : memref<!tpu.dma_semaphore, #tpu.memory_space<semaphore_mem>>)
        %dma_wait3A_150 = arith.constant 576 : i32
        %dma_wait3A_151 = arith.constant 0 : i32
        %dma_wait3A_152 = tpu.memref_slice %arg4[%dma_wait3A_150, %dma_wait3A_151] : memref<577x768xf32, #tpu.memory_space<hbm>> -> memref<1x768xf32, #tpu.memory_space<hbm>>
        %dma_wait3A_153 = arith.constant 576 : i32
        %dma_wait3A_154 = arith.constant 0 : i32
        %dma_wait3A_155 = tpu.memref_slice %arg4[%dma_wait3A_153, %dma_wait3A_154] : memref<577x768xf32, #tpu.memory_space<hbm>> -> memref<1x768xf32, #tpu.memory_space<hbm>>
        tpu.wait_dma2 semaphore(%run_scoped3A_143 : memref<!tpu.dma_semaphore, #tpu.memory_space<semaphore_mem>>) src(%dma_wait3A_155 : memref<1x768xf32, #tpu.memory_space<hbm>>) dst(%arg7 : memref<1x768xf32, #tpu.memory_space<vmem>>)
        tpu.yield
      }) : () -> ()
      %scan3A_135 = arith.constant 0 : i32
      %scan3A_136 = arith.constant 0 : i32
      %scan3A_137 = arith.constant 48 : i32
      %scan3A_138 = arith.addi %scan3A_136, %scan3A_137 : i32
      %scan3A_139 = arith.constant 1 : i32
      scf.for %scan3A_143 = %scan3A_136 to %scan3A_138 step %scan3A_139  : i32 {
        %mul3A_144 = arith.constant 16 : i32
        %mul3A_145 = arith.muli %scan3A_143, %mul3A_144 : i32
        %get3A = arith.constant 0 : i32
        %get3A_146 = arith.index_cast %get3A : i32 to index
        %get3A_147 = arith.index_cast %mul3A_145 : i32 to index
        %get3A_148 = tpu.vector_load %arg7[%get3A_146, %get3A_147] {strides = array<i32>} : memref<1x768xf32, #tpu.memory_space<vmem>>, vector<1x16xf32>,
        %get3A_149 = vector.shape_cast %get3A_148 : vector<1x16xf32> to vector<16xf32>
        %parallel_loop3A = arith.constant 0 : i32
        %parallel_loop3A_150 = arith.constant 32 : i32
        %parallel_loop3A_151 = arith.constant 1 : i32
        scf.for %parallel_loop3A_152 = %parallel_loop3A to %parallel_loop3A_150 step %parallel_loop3A_151  : i32 {
          %parallel_loop3A_153 = arith.index_cast %parallel_loop3A_152 : i32 to index
          %parallel_loop3A_154 = arith.index_cast %mul3A_145 : i32 to index
          %parallel_loop3A_155 = tpu.vector_load %arg10[%parallel_loop3A_153, %parallel_loop3A_154] {strides = array<i32>} : memref<32x768xf32, #tpu.memory_space<vmem>>, vector<1x16xf32>,
          %parallel_loop3A_156 = vector.shape_cast %parallel_loop3A_155 : vector<1x16xf32> to vector<16xf32>
          %parallel_loop3A_157 = arith.addf %parallel_loop3A_156, %get3A_149 : vector<16xf32>
          %parallel_loop3A_158 = arith.index_cast %parallel_loop3A_152 : i32 to index
          %parallel_loop3A_159 = arith.index_cast %mul3A_145 : i32 to index
          %parallel_loop3A_160 = tpu.vector_load %arg12[%parallel_loop3A_158, %parallel_loop3A_159] {strides = array<i32>} : memref<32x768xf32, #tpu.memory_space<vmem>>, vector<1x16xf32>,
          %parallel_loop3A_161 = vector.shape_cast %parallel_loop3A_160 : vector<1x16xf32> to vector<16xf32>
          %parallel_loop3A_162 = vector.shape_cast %parallel_loop3A_157 : vector<16xf32> to vector<1x16xf32>
          tpu.vector_store %arg12[%parallel_loop3A_158, %parallel_loop3A_159], %parallel_loop3A_162 {strides = array<i32>} : memref<32x768xf32, #tpu.memory_space<vmem>>, vector<1x16xf32>,
        } {sc.loop_unroll_factor = 8 : i64, sc.parallel_access}
      }
      %scan3A_140 = arith.constant 48 : i32
      %mul3A_141 = arith.constant 32 : i32
      %mul3A_142 = arith.muli %sub3A_110, %mul3A_141 : i32
      %run_scoped3A = arith.constant 576 : i32
      "tpu.region"() ({
        %run_scoped3A_143 = tpu.sem_alloc : memref<!tpu.dma_semaphore, #tpu.memory_space<semaphore_mem>>
        %dma_start3A_144 = arith.constant 0 : i32
        %dma_start3A_145 = tpu.memref_slice %arg5[%run_scoped3A, %mul3A_142, %dma_start3A_144] : memref<577x64x768xf32, #tpu.memory_space<hbm>> -> memref<1x32x768xf32, #tpu.memory_space<hbm>>
        %dma_start3A_146 = tpu.memref_squeeze %dma_start3A_145 : memref<1x32x768xf32, #tpu.memory_space<hbm>> -> memref<32x768xf32, #tpu.memory_space<hbm>>
        %dma_start3A_147 = arith.constant 0 : i32
        %dma_start3A_148 = tpu.memref_slice %arg5[%run_scoped3A, %mul3A_142, %dma_start3A_147] : memref<577x64x768xf32, #tpu.memory_space<hbm>> -> memref<1x32x768xf32, #tpu.memory_space<hbm>>
        %dma_start3A_149 = tpu.memref_squeeze %dma_start3A_148 : memref<1x32x768xf32, #tpu.memory_space<hbm>> -> memref<32x768xf32, #tpu.memory_space<hbm>>
        tpu.enqueue_dma source(%arg12 : memref<32x768xf32, #tpu.memory_space<vmem>>) target(%dma_start3A_149 : memref<32x768xf32, #tpu.memory_space<hbm>>) target_semaphore(%run_scoped3A_143 : memref<!tpu.dma_semaphore, #tpu.memory_space<semaphore_mem>>)
        %dma_wait3A_150 = arith.constant 0 : i32
        %dma_wait3A_151 = tpu.memref_slice %arg5[%run_scoped3A, %mul3A_142, %dma_wait3A_150] : memref<577x64x768xf32, #tpu.memory_space<hbm>> -> memref<1x32x768xf32, #tpu.memory_space<hbm>>
        %dma_wait3A_152 = tpu.memref_squeeze %dma_wait3A_151 : memref<1x32x768xf32, #tpu.memory_space<hbm>> -> memref<32x768xf32, #tpu.memory_space<hbm>>
        %dma_wait3A_153 = arith.constant 0 : i32
        %dma_wait3A_154 = tpu.memref_slice %arg5[%run_scoped3A, %mul3A_142, %dma_wait3A_153] : memref<577x64x768xf32, #tpu.memory_space<hbm>> -> memref<1x32x768xf32, #tpu.memory_space<hbm>>
        %dma_wait3A_155 = tpu.memref_squeeze %dma_wait3A_154 : memref<1x32x768xf32, #tpu.memory_space<hbm>> -> memref<32x768xf32, #tpu.memory_space<hbm>>
        tpu.wait_dma2 semaphore(%run_scoped3A_143 : memref<!tpu.dma_semaphore, #tpu.memory_space<semaphore_mem>>) src(%arg12 : memref<32x768xf32, #tpu.memory_space<vmem>>) dst(%dma_wait3A_155 : memref<32x768xf32, #tpu.memory_space<hbm>>)
        tpu.yield
      }) : () -> ()
    } else {
    }
    return
  }
}

</mosaic_0001>

<sc_bundles>
// kernel: kernel.3.cloned.1.call-start
scs
__scs_entry_jumppad:
0x0: {  	(pc) =	sbr.rel $0x88, $3  }
0x1: {  	(tag) =	ssettag $0x0;
	lr =	simm.s32 $0x1  }
0x2: {  	[smem:$0x3F9E] =	sst lr;
	_ =	strace $0xD0000000  }
0x3: {  	_ = 	snop  }
0x4: {  	_ = 	snop  }
0x5: {  	_ = 	snop  }
0x6: {  	_ = 	snop  }
0x7: {  	_ = 	snop  }
__scs_overlays_trampoline_lowered:
0x8: {  	[smem:$0x3FAD] =	sst s0  }
0x9: {  	[smem:$0x3FAE] =	sst s1  }
0xa: {  	[smem:$0x3FAF] =	sst s2  }
0xb: {  	[smem:$0x3FB0] =	sst s3  }
0xc: {  	[smem:$0x3FB1] =	sst s4  }
0xd: {  	[smem:$0x3FB2] =	sst s5  }
0xe: {  	[smem:$0x3FB3] =	sst s6  }
0xf: {  	[smem:$0x3FB4] =	sst s7  }
0x10: {  	[smem:$0x3FB5] =	sst s8  }
0x11: {  	[smem:$0x3FB6] =	sst s9;
	s0 =	simm.s32 @!p0 $0x0  }
0x12: {  	s1 =	sld [smem:$0x3F9C];
	s0 =	simm.s32 @p0 $0x1  }
0x13: {  	[smem:$0x3FB7] =	sst s0;
	s0 =	simm.s32 @!p1 $0x0  }
0x14: {  	s2 =	sld [smem:$0x3F9B];
	s0 =	simm.s32 @p1 $0x1  }
0x15: {  	[smem:$0x3FB8] =	sst s0;
	s0 =	simm.s32 @!p2 $0x0  }
0x16: {  	s3 =	sld [smem:$0x3FDB];
	s0 =	simm.s32 @p2 $0x1  }
0x17: {  	s4 =	simm.s32 $0x1BF5;
	[smem:$0x3FBA] =	sst s0  }
0x18: {  	s0 =	sld [smem:$0x3F9D];
	_ =	swait.ge [sflag:s4], $0x0  }
0x19: {  	s7 =	sld [smem:$0x3F9E]  }
0x1a: {  	s8 =	sadd.s32 $0xFFFFE003, lr  }
0x1b: {  	s9 =	sadd.s32 $0xFFFFFEF7, lr;
	s5 =	simm.s32 $0xFFFFFFFF;
	p2 =	slt.u32 s8, $0xFFFFF086  }
0x1c: {  	p1 =	slt.u32 s9, $0xF7A;
	s5 =	simm.s32 @!p2 $0x0  }
0x1d: {  	s5 =	simm.s32 @p1 $0x1;
	p0 =	seq.s32 s7, s2  }
0x1e: {  	s7 =	smul.u32 @!p0 $0xF7A, s2;
	p2 =	seq.s32 @!p0 s5, $0x0  }
0x1f: {  	s9 =	smul.u32 $0xF7A, s1;
	s8 =	simm.s32 @!p0 $0x1BF5;
	p2 =	por !p2, p0  }
0x20: {  	[sflag:s8] =	ssyncset.s32 @!p0 $0xFFFFF086;
	s6 =	sadd.s32 @!p0 s3, s7;
	s7 =	simm.s32 @!p0 $0x108  }
0x21: {  	s3 =	sadd.s32 s3, s9;
	s6 =	sadd.s32 @!p0 $0x88, s6;
	s7 =	simm.s32 @p2 $0x1082  }
0x22: {  	[simem:s7], [sflag:s8] =	dma.local @!p0 [hbm:s6], $0xF7A  }
0x23: {  	s9 =	sor.u32 $0xD0000000, s2;
	s6 =	simm.s32 $0x108;
	_ =	swait.ge @!p0 [sflag:s8], $0x0  }
0x24: {  	s3 =	sadd.s32 $0x88, s3;
	s6 =	simm.s32 @!p1 $0x1082;
	[sflag:s4] =	ssyncset.s32 $0xFFFFF086  }
0x25: {  	[simem:s6], [sflag:s4] =	dma.local [hbm:s3], $0xF7A  }
0x26: {  	[smem:$0x3F9E] =	sst s1;
	(tag) =	ssettag s2;
	_ =	strace s9  }
0x27: {  	s1 =	sld [smem:$0x3FAE]  }
0x28: {  	s2 =	sld [smem:$0x3FAF]  }
0x29: {  	s4 =	sld [smem:$0x3FB1]  }
0x2a: {  	p0 =	seq.s32 s5, $0x0;
	s5 =	sld [smem:$0x3FB2]  }
0x2b: {  	s6 =	sld [smem:$0x3FB3]  }
0x2c: {  	s7 =	sld [smem:$0x3FB4]  }
0x2d: {  	s3 =	simm.s32 $0x108;
	s8 =	sld [smem:$0x3FB5]  }
0x2e: {  	s3 =	simm.s32 @!p0 $0x1082;
	s9 =	sld [smem:$0x3FB6]  }
0x2f: {  	lr =	sadd.s32 s0, s3;
	s0 =	sld [smem:$0x3FAD]  }
0x30: {  	s3 =	sld [smem:$0x3FB0]  }
0x31: {  	[smem:$0x3FB9] =	sst s10  }
0x32: {  	s10 =	sld [smem:$0x3FB7];
	_ =	sdelay $0x3  }
0x33: {  	p0 =	seq.s32 s10, $0x1;
	s10 =	sld [smem:$0x3FB9];
	_ =	sdelay $0x3  }
0x34: {  	[smem:$0x3FB9] =	sst s10  }
0x35: {  	s10 =	sld [smem:$0x3FB8];
	_ =	sdelay $0x3  }
0x36: {  	p1 =	seq.s32 s10, $0x1;
	s10 =	sld [smem:$0x3FB9];
	_ =	sdelay $0x3  }
0x37: {  	[smem:$0x3FB9] =	sst s10  }
0x38: {  	s10 =	sld [smem:$0x3FBA]  }
0x39: {  	_ = 	snop;
	(pc) =	sbr.ind lr, $3  }
0x3a: {  	_ = 	snop  }
0x3b: {  	_ = 	snop  }
0x3c: {  	p2 =	seq.s32 s10, $0x1;
	s10 =	sld [smem:$0x3FB9]  }
0x3d: {  	_ =	shalt  }
0x3e: {  	_ =	shalt  }
0x3f: {  	_ =	shalt  }
0x40: {  	_ =	shalt  }
0x41: {  	_ =	shalt  }
0x42: {  	_ =	shalt  }
0x43: {  	_ =	shalt  }
0x44: {  	_ =	shalt  }
0x45: {  	_ =	shalt  }
0x46: {  	_ =	shalt  }
0x47: {  	_ =	shalt  }
0x48: {  	_ =	shalt  }
0x49: {  	_ =	shalt  }
0x4a: {  	_ =	shalt  }
0x4b: {  	_ =	shalt  }
0x4c: {  	_ =	shalt  }
0x4d: {  	_ =	shalt  }
0x4e: {  	_ =	shalt  }
0x4f: {  	_ =	shalt  }
0x50: {  	_ =	shalt  }
0x51: {  	_ =	shalt  }
0x52: {  	_ =	shalt  }
0x53: {  	_ =	shalt  }
0x54: {  	_ =	shalt  }
0x55: {  	_ =	shalt  }
0x56: {  	_ =	shalt  }
0x57: {  	_ =	shalt  }
0x58: {  	_ =	shalt  }
0x59: {  	_ =	shalt  }
0x5a: {  	_ =	shalt  }
0x5b: {  	_ =	shalt  }
0x5c: {  	_ =	shalt  }
0x5d: {  	_ =	shalt  }
0x5e: {  	_ =	shalt  }
0x5f: {  	_ =	shalt  }
0x60: {  	_ =	shalt  }
0x61: {  	_ =	shalt  }
0x62: {  	_ =	shalt  }
0x63: {  	_ =	shalt  }
0x64: {  	_ =	shalt  }
0x65: {  	_ =	shalt  }
0x66: {  	_ =	shalt  }
0x67: {  	_ =	shalt  }
0x68: {  	_ =	shalt  }
0x69: {  	_ =	shalt  }
0x6a: {  	_ =	shalt  }
0x6b: {  	_ =	shalt  }
0x6c: {  	_ =	shalt  }
0x6d: {  	_ =	shalt  }
0x6e: {  	_ =	shalt  }
0x6f: {  	_ =	shalt  }
0x70: {  	_ =	shalt  }
0x71: {  	_ =	shalt  }
0x72: {  	_ =	shalt  }
0x73: {  	_ =	shalt  }
0x74: {  	_ =	shalt  }
0x75: {  	_ =	shalt  }
0x76: {  	_ =	shalt  }
0x77: {  	_ =	shalt  }
0x78: {  	_ =	shalt  }
0x79: {  	_ =	shalt  }
0x7a: {  	_ =	shalt  }
0x7b: {  	_ =	shalt  }
0x7c: {  	_ =	shalt  }
0x7d: {  	_ =	shalt  }
0x7e: {  	_ =	shalt  }
0x7f: {  	_ =	shalt  }
0x80: {  	_ =	shalt  }
0x81: {  	_ =	shalt  }
0x82: {  	_ =	shalt  }
0x83: {  	_ =	shalt  }
0x84: {  	_ =	shalt  }
0x85: {  	_ =	shalt  }
0x86: {  	_ =	shalt  }
0x87: {  	_ =	shalt  }
.Lfunc_end0:
.L_simem_size_0:
called_computation_lowered:
.L_overlay_start_0:
0x88: {  	s2 =	sld [smem:$0x3FD9]  }
0x89: {  	s3 =	sld [smem:$0x3FFE];
	_ =	sdelay $0x1  }
0x8a: {  	s1 =	srdreg.scid  }
0x8b: {  	s0 =	sand.u32 $0x1, s1  }
0x8c: {  	s18 =	sshll.u32 s0, $0xA;
	s2 =	sadd.s32 s3, s2  }
0x8d: {  	s2 =	sadd.s32 s2, s18  }
0x8e: {  	[smem:$0x3FC5] =	sst s2  }
0x8f: {  	_ = 	snop  }
0x90: {  	s2 =	sld [smem:$0x3FC9]  }
0x91: {  	s19 =	sld [smem:$0x3FC8]  }
0x92: {  	s4 =	sld [smem:$0x3FC7]  }
0x93: {  	s5 =	sld [smem:$0x3FD0];
	(tm) =	ssettm $0x1  }
0x94: {  	s6 =	sld [smem:$0x3FFB];
	_ =	sdelay $0x3  }
0x95: {  	_ =	strace s6  }
0x96: {  	s6 =	sld [smem:$0x3FFC];
	_ =	sdelay $0x3  }
0x97: {  	_ =	strace s6  }
0x98: {  	s6 =	sld [smem:$0x3FFD];
	_ =	sdelay $0x3  }
0x99: {  	_ =	strace s6  }
0x9a: {  	_ =	strace $0x8FFFFFFF  }
0x9b: {  	s20 =	sld [smem:$0x3FDB];
	_ =	sdelay $0x1  }
0x9c: {  	s7 =	simm.s32 $_scs_section_size  }
0x9d: {  	s8 =	simm.s32 $_size__tile_overlayer_lowered;
	s9 =	simm.s32 $_tile_overlayer_lowered  }
0x9e: {  	s23 =	simm.s32 $0x1BFF;
	s22 =	sshll.u32 s9, $0x1;
	s6 =	sadd.s32 s7, s20  }
0x9f: {  	s10 =	simm.s32 $0x0;
	s21 =	sshll.u32 s8, $0x1;
	s8 =	sadd.s32 s22, s6  }
0xa0: {  	[timem:s10], [sflag:s23] =	dma.local [hbm:s8], s21  }
0xa1: {  	_ =	swait.ge [sflag:s23], s21  }
0xa2: {  	s7 =	ssub.s32 $0x0, s21;
	[sflag:s23] =	ssyncset.done $0x0  }
0xa3: {  	[sflag:s23] =	ssyncadd.s32 s7;
	_ =	sdelay $0x1  }
0xa4: {  	s24 =	simm.s32 $0x1B8B  }
0xa5: {  	_ =	swait.ge [sflag:s24], $0x1  }
0xa6: {  	[sflag:s24] =	ssyncset.done $0x0  }
0xa7: {  	s25 =	simm.s32 $0x1B8E;
	[sflag:s24] =	ssyncadd.s32 $0xFFFFFFFF  }
0xa8: {  	s26 =	simm.s32 $execute0_lowered;
	[smem:$0x3FD2] =	sst s25  }
0xa9: {  	s7 =	sshll.u32 s26, $0x1;
	_ =	strace $0x80000046;
	[dreg:$0x1] =	wrdreg $0xFFFFFFFF  }
0xaa: {  	s28 =	simm.s32 $_size_execute0_lowered;
	s6 =	sadd.s32 s6, s7;
	[dreg:$0x0] =	wrdreg $0x0  }
0xab: {  	s7 =	sshll.u32 s28, $0x1;
	[dreg:$0x2] =	wrdreg s6  }
0xac: {  	[dreg:$0x3] =	wrdreg s7  }
0xad: {  	[dreg:$0x4] =	wrdreg $0xC0  }
0xae: {  	_ =	task [dreg:s10], $0x5FFFF  }
0xaf: {  	[dreg:$0x1] =	wrdreg $0xFFFFFFFF  }
0xb0: {  	[dreg:$0x0] =	wrdreg $0x60  }
0xb1: {  	[dreg:$0x2] =	wrdreg s2  }
0xb2: {  	[dreg:$0x3] =	wrdreg s19  }
0xb3: {  	[dreg:$0x4] =	wrdreg s4  }
0xb4: {  	[dreg:$0x5] =	wrdreg s5  }
0xb5: {  	[dreg:$0x6] =	wrdreg $0x9  }
0xb6: {  	_ =	task.clear_ibuf [dreg:s10], $0x7FFFF;
	_ =	strace $0x90000046  }
0xb7: {  	s29 =	simm.s32 $0x9;
	_ =	strace $0x80000048  }
0xb8: {  	_ =	swait.ge [sflag:s29], $0x1  }
0xb9: {  	[sflag:s29] =	ssyncadd.s32 $0xFFFFFFFF  }
0xba: {  	_ =	strace $0x90000048  }
0xbb: {  	_ =	sfence  }
0xbc: {  	s30 =	sld [smem:$0x0];
	_ =	sdelay $0x2  }
0xbd: {  	s31 =	sshll.u32 s1, $0xD;
	s1 =	sshrl.u32 s1, $0x2  }
0xbe: {  	s3 =	sand.u32 $0x4000, s31;
	s1 =	sadd.s32 s1, s30  }
0xbf: {  	s0 =	sor.u32 s3, s0;
	s1 =	sshll.u32 s1, $0x11  }
0xc0: {  	s0 =	sor.u32 s1, s0  }
0xc1: {  	s0 =	sadd.s32 $0x8F2B, s0  }
0xc2: {  	[sflag:s0] =	ssyncadd.remote.s32 $0x1  }
0xc3: {  	_ =	sfence.sel $0xFFFF  }
0xc4: {  	[dreg:$0x0] =	wrdreg $0xFFFFFFFF;
	(pc) =	sbr.abs _section_cstart, $3  }
0xc5: {  	[dreg:$0x1] =	wrdreg $0xFFFFFFFF  }
0xc6: {  	_ =	task.clear_ibuf [dreg:s10], $0x2FFFF;
	_ =	strace $0x9FFFFFFF  }
0xc7: {  	(tm) =	ssettm $0x7FFFFFFF  }
tec
execute0_lowered:
.L_overlay_start_1:
0x0: {  	(tag) =	ssettag $0x1  }
0x1: {  	s0 =	srdreg.scid  }
0x2: {  	s0 =	sand.u32 $0x1, s0  }
0x3: {  	s3 =	stileid.u32;
	s2 =	sshll.u32 s0, $0x4  }
0x4: {  	v12 =	vlaneseq.u32;
	s2 =	sor.u32 s3, s2  }
0x5: {  	v0 =	vmul.u32 $0x240, v12;
	s7 =	smul.u32 $0x12, s2  }
0x6: {  	s1 =	rddreg [dreg:$0x0]  }
0x7: {  	v1 =	vadd.s32 $0x2400, v0;
	s9 =	smul.u32 $0x4800, s2;
	s24 =	sadd.s32 $0x8, s7;
	s26 =	sadd.s32 $0xFFFFFFFF, s7  }
0x8: {  	s14 =	rddreg [dreg:$0x2];
	s13 =	sadd.s32 $0x47FF, s7;
	v7 =	vadd.s32 s7, v12;
	v9 =	vadd.s32 s24, v12;
	v8 =	vadd.s32 s26, v0  }
0x9: {  	s5 =	rddreg [dreg:$0x3];
	s9 =	sadd.s32 $0xFFF7923F, s9;
	v2 =	vadd.s32 s26, v1;
	v10 =	vmov s13;
	v3 =	vadd.s32 s13, v0  }
0xa: {  	s6 =	simm.s32 $0x0;
	s17 =	simm.s32 $0xFC00;
	s28 =	simm.s32 $0x10400;
	v4 =	vadd.s32 s13, v1;
	v5 =	vadd.s32 s9, v0;
	v6 =	vadd.s32 s9, v1  }
0xb: {  	s29 =	simm.s32 $0x10C00;
	s30 =	simm.s32 $0x2;
	s31 =	simm.s32 $0x4;
	v7 =	vmin.u32 v7, $0x240;
	vm0 =	vgt.s32 v8, $0x0;
	v13 =	vshrl.u32 v3, $0x3  }
0xc: {  	[smem:$0x7FF] =	sst s6;
	s4 =	sadd.s32 $0x100, s14;
	s8 =	sadd.s32 $0x200, s14;
	v14 =	vshrl.u32 v5, $0x3;
	v10 =	vand.u32 $0x7, v10;
	v8 =	vnsel vm0, $0x0, v8  }
0xd: {  	s10 =	sadd.s32 $0x100, s1;
	_ =	strace $0x80000047;
	[dreg:$0x5] =	wrdreg s4;
	v13 =	vmul.u32 $0x30, v13;
	v14 =	vmul.u32 $0x30, v14;
	v11 =	vshrl.u32 v8, $0x3  }
0xe: {  	s11 =	sadd.s32 $0x200, s1;
	s14 =	sadd.s32 $0xD800, s14;
	[dreg:$0x6] =	wrdreg s8;
	vm0 =	vlt.s32 v9, $0x240;
	v15 =	vand.u32 $0x7, v8;
	v11 =	vmul.u32 $0x30, v11  }
0xf: {  	s0 =	ssub.s32 $0x2, s0;
	[dreg:$0x7] =	wrdreg s14;
	s8 =	simm.s32 $0xEC00;
	v13 =	vor.u32 v10, v13;
	v14 =	vor.u32 $0x7, v14;
	v10 =	vand.u32 $0x7, v12  }
0x10: {  	s23 =	sshrl.u32 s0, $0x1;
	s3 =	simm.s32 $0xE400;
	s25 =	smul.u32 $0x6000, s2;
	v9 =	vnsel vm0, $0x240, v9;
	v17 =	vperm.xlane v13, v10;
	v19 =	vperm.xlane v14, v10  }
.Ltmp0:
0x11: {  	s0 =	ssub.s32 s0, s23;
	s23 =	simm.s32 $0x5;
	v15 =	vor.u32 v15, v11;
	v11 =	vor.u32 $0x8, v12;
	v12 =	vshrl.u32 v12, $0x3;
	(pc) =	sbr.rel .LBB2_1-.Ltmp0, $4  }
0x12: {  	p0 =	slt.u32 s2, $0x1E;
	s0 =	smax.u32 s0, $0x1;
	s4 =	sadd.s32 $0x1A4C000, s25;
	v16 =	vperm.xlane v15, v10;
	v15 =	vperm.xlane v15, v11;
	v12 =	vmul.u32 $0x8, v12  }
0x13: {  	s12 =	sor.u32 $0x4800, s7;
	[dreg:$0x9] =	wrdreg s0;
	s4 =	sshrl.u32 s4, $0x3;
	vm0 =	vmmov $0xffff;
	v18 =	vperm.xlane v13, v11;
	v20 =	vperm.xlane v14, v11  }
0x14: {  	s0 =	simm.s32 $0x16C00;
	s26 =	simm.s32 $0x1;
	s4 =	sadd.s32 s5, s4;
	v13 =	vadd.s32 v12, v16;
	v14 =	vadd.s32 v12, v15;
	v15 =	vadd.s32 v12, v17  }
0x15: {  	s9 =	simm.s32 $0xF400;
	[dreg:$0x8] =	wrdreg s4;
	s4 =	simm.s32 $0x0;
	v16 =	vadd.s32 v12, v18;
	v17 =	vadd.s32 v12, v19;
	v18 =	vadd.s32 v12, v20  }
.LBB2_28:
0x16: {  	s4 =	sadd.s32 $0x1, s4;
	s2 =	rddreg [dreg:$0x9]  }
0x17: {  	p1 =	sne.s32 s4, s2  }
.Ltmp1:
0x18: {  	_ = 	snop;
	(pc) =	sbr.rel @!p1 .LBB2_29-.Ltmp1, $1  }
0x19: {  	_ =	sdelay $0x3  }
.LBB2_1:
0x1a: {  	[dreg:$0xa] =	wrdreg s4  }
0x1b: {  	s2 =	rddreg [dreg:$0x1];
	s20 =	simm.s32 $0x4800  }
0x1c: {  	[tilespmem:s20], [sflag:$0x5] =	stream.linear.gather [hbm4b:s2+s6], $0x300, $0x38;
	[tilespmem:$0x1CC00] =	vst v63  }
0x1d: {  	_ =	swait.ge [sflag:s23], $0x300  }
0x1e: {  	[sflag:s23] =	ssyncset.done $0x0  }
0x1f: {  	[sflag:s23] =	ssyncadd.s32 $0xFFFFFD00  }
0x20: {  	[tilespmem:$0x4B00] =	vst v7  }
0x21: {  	[tilespmem:$0x4B08] =	vst v9  }
0x22: {  	v19 =	vld [tilespmem:$0x4B00];
	_ =	sdelay $0x4  }
0x23: {  	v20 =	vshrl.u32 v19, $0x3  }
0x24: {  	v20 =	vmul.u32 $0x30, v20  }
0x25: {  	v19 =	vand.u32 $0x7, v19  }
0x26: {  	v19 =	vor.u32 v19, v20  }
0x27: {  	v20 =	vperm.xlane v19, v10;
	_ =	sdelay $0x1  }
0x28: {  	v20 =	vadd.s32 v12, v20;
	_ =	sdelay $0x3  }
0x29: {  	s21 =	rddreg [dreg:$0x2];
	v19 =	vperm.xlane v19, v11  }
0x2a: {  	[tilespmem:s6], [sflag:$0x1] =	stream.indirect_vreg.gather [hbm4b:s21+s6], $0x80, v20, vm0, $0xb8;
	[tilespmem:$0x1CC00] =	vst v63  }
0x2b: {  	s13 =	simm.s32 $0x800;
	s22 =	rddreg [dreg:$0x5];
	v19 =	vadd.s32 v12, v19  }
0x2c: {  	[tilespmem:s13], [sflag:$0x1] =	stream.indirect_vreg.gather [hbm4b:s22+s6], $0x80, v20, vm0, $0xb8;
	[tilespmem:$0x1CC00] =	vst v63  }
0x2d: {  	s14 =	simm.s32 $0x1000;
	s23 =	rddreg [dreg:$0x6]  }
0x2e: {  	[tilespmem:s14], [sflag:$0x1] =	stream.indirect_vreg.gather [hbm4b:s23+s6], $0x80, v20, vm0, $0xb8;
	[tilespmem:$0x1CC00] =	vst v63  }
0x2f: {  	s24 =	simm.s32 $0x1800  }
0x30: {  	[tilespmem:s24], [sflag:$0x1] =	stream.indirect_vreg.gather [hbm4b:s21+s6], $0x80, v19, vm0, $0xb8;
	[tilespmem:$0x1CC00] =	vst v63  }
0x31: {  	s25 =	simm.s32 $0x2000  }
0x32: {  	[tilespmem:s25], [sflag:$0x1] =	stream.indirect_vreg.gather [hbm4b:s22+s6], $0x80, v19, vm0, $0xb8;
	[tilespmem:$0x1CC00] =	vst v63  }
0x33: {  	s15 =	simm.s32 $0x2800  }
0x34: {  	[tilespmem:s15], [sflag:$0x1] =	stream.indirect_vreg.gather [hbm4b:s23+s6], $0x80, v19, vm0, $0xb8;
	[tilespmem:$0x1CC00] =	vst v63  }
0x35: {  	v19 =	vld.msk [tilespmem:$0x4B10], $0xff;
	_ =	sdelay $0x4  }
0x36: {  	v20 =	vshrl.u32 v19, $0x3  }
0x37: {  	v20 =	vmul.u32 $0x30, v20  }
0x38: {  	v19 =	vand.u32 $0x7, v19  }
0x39: {  	v19 =	vor.u32 v19, v20  }
0x3a: {  	v19 =	vperm.xlane v19, v10;
	_ =	sdelay $0x1  }
0x3b: {  	v19 =	vadd.s32 v12, v19;
	_ =	sdelay $0x3  }
0x3c: {  	s16 =	simm.s32 $0x3000  }
0x3d: {  	[tilespmem:s16], [sflag:$0x1] =	stream.indirect_vreg.gather [hbm4b:s21+s6], $0x80, v19, vm0, $0xb8;
	[tilespmem:$0x1CC00] =	vst v63  }
0x3e: {  	s18 =	simm.s32 $0x3800  }
0x3f: {  	[tilespmem:s18], [sflag:$0x1] =	stream.indirect_vreg.gather [hbm4b:s22+s6], $0x80, v19, vm0, $0xb8;
	[tilespmem:$0x1CC00] =	vst v63  }
0x40: {  	s19 =	simm.s32 $0x4000  }
0x41: {  	[tilespmem:s19], [sflag:$0x1] =	stream.indirect_vreg.gather [hbm4b:s23+s6], $0x80, v19, vm0, $0xb8;
	[tilespmem:$0x1CC00] =	vst v63  }
0x42: {  	_ =	swait.ge [sflag:s26], $0x4800  }
0x43: {  	[sflag:s26] =	ssyncset.done $0x0  }
0x44: {  	[sflag:s26] =	ssyncadd.s32 $0xFFFFB800  }
0x45: {  	[tilespmem:$0x4B00] =	vst v8  }
0x46: {  	s20 =	simm.s32 $0x4C00;
	[tilespmem:$0x4B10] =	vst v2  }
0x47: {  	[tilespmem:s20], [sflag:$0x1] =	stream.indirect_vreg.gather [hbm4b:s1+s6], $0x80, v13, vm0, $0xb8;
	[tilespmem:$0x1CC00] =	vst v63  }
0x48: {  	s21 =	simm.s32 $0x5400  }
0x49: {  	[tilespmem:s21], [sflag:$0x1] =	stream.indirect_vreg.gather [hbm4b:s10+s6], $0x80, v13, vm0, $0xb8;
	[tilespmem:$0x1CC00] =	vst v63  }
0x4a: {  	s22 =	simm.s32 $0x5C00  }
0x4b: {  	[tilespmem:s22], [sflag:$0x1] =	stream.indirect_vreg.gather [hbm4b:s11+s6], $0x80, v13, vm0, $0xb8;
	[tilespmem:$0x1CC00] =	vst v63  }
0x4c: {  	s23 =	simm.s32 $0x6400  }
0x4d: {  	[tilespmem:s23], [sflag:$0x1] =	stream.indirect_vreg.gather [hbm4b:s1+s6], $0x80, v14, vm0, $0xb8;
	[tilespmem:$0x1CC00] =	vst v63  }
0x4e: {  	s24 =	simm.s32 $0x6C00  }
0x4f: {  	[tilespmem:s24], [sflag:$0x1] =	stream.indirect_vreg.gather [hbm4b:s10+s6], $0x80, v14, vm0, $0xb8;
	[tilespmem:$0x1CC00] =	vst v63  }
0x50: {  	s25 =	simm.s32 $0x7400  }
0x51: {  	[tilespmem:s25], [sflag:$0x1] =	stream.indirect_vreg.gather [hbm4b:s11+s6], $0x80, v14, vm0, $0xb8;
	[tilespmem:$0x1CC00] =	vst v63  }
0x52: {  	v19 =	vld [tilespmem:$0x4B10];
	_ =	sdelay $0x4  }
0x53: {  	v20 =	vshrl.u32 v19, $0x3  }
0x54: {  	v20 =	vmul.u32 $0x30, v20  }
0x55: {  	v19 =	vand.u32 $0x7, v19  }
0x56: {  	v19 =	vor.u32 v19, v20  }
0x57: {  	v20 =	vperm.xlane v19, v10;
	_ =	sdelay $0x1  }
0x58: {  	v20 =	vadd.s32 v12, v20;
	_ =	sdelay $0x3  }
0x59: {  	s4 =	simm.s32 $0x7C00;
	v19 =	vperm.xlane v19, v11  }
0x5a: {  	[tilespmem:s4], [sflag:$0x1] =	stream.indirect_vreg.gather [hbm4b:s1+s6], $0x80, v20, vm0, $0xb8;
	[tilespmem:$0x1CC00] =	vst v63  }
0x5b: {  	s13 =	simm.s32 $0x8400;
	v19 =	vadd.s32 v12, v19  }
0x5c: {  	[tilespmem:s13], [sflag:$0x1] =	stream.indirect_vreg.gather [hbm4b:s10+s6], $0x80, v20, vm0, $0xb8;
	[tilespmem:$0x1CC00] =	vst v63  }
0x5d: {  	s14 =	simm.s32 $0x8C00  }
0x5e: {  	[tilespmem:s14], [sflag:$0x1] =	stream.indirect_vreg.gather [hbm4b:s11+s6], $0x80, v20, vm0, $0xb8;
	[tilespmem:$0x1CC00] =	vst v63  }
0x5f: {  	s15 =	simm.s32 $0x9400  }
0x60: {  	[tilespmem:s15], [sflag:$0x1] =	stream.indirect_vreg.gather [hbm4b:s1+s6], $0x80, v19, vm0, $0xb8;
	[tilespmem:$0x1CC00] =	vst v63  }
0x61: {  	s16 =	simm.s32 $0x9C00  }
0x62: {  	[tilespmem:s16], [sflag:$0x1] =	stream.indirect_vreg.gather [hbm4b:s10+s6], $0x80, v19, vm0, $0xb8;
	[tilespmem:$0x1CC00] =	vst v63  }
0x63: {  	s18 =	simm.s32 $0xA400  }
0x64: {  	[tilespmem:s18], [sflag:$0x1] =	stream.indirect_vreg.gather [hbm4b:s11+s6], $0x80, v19, vm0, $0xb8;
	[tilespmem:$0x1CC00] =	vst v63  }
0x65: {  	[tilespmem:$0x4B80] =	vst v3  }
0x66: {  	s19 =	simm.s32 $0xAC00;
	[tilespmem:$0x4B90] =	vst v4  }
0x67: {  	[tilespmem:s19], [sflag:$0x2] =	stream.indirect_vreg.gather [hbm4b:s1+s6], $0x80, v15, vm0, $0xb8;
	[tilespmem:$0x1CC00] =	vst v63  }
0x68: {  	s20 =	simm.s32 $0xB400  }
0x69: {  	[tilespmem:s20], [sflag:$0x2] =	stream.indirect_vreg.gather [hbm4b:s10+s6], $0x80, v15, vm0, $0xb8;
	[tilespmem:$0x1CC00] =	vst v63  }
0x6a: {  	s21 =	simm.s32 $0xBC00  }
0x6b: {  	[tilespmem:s21], [sflag:$0x2] =	stream.indirect_vreg.gather [hbm4b:s11+s6], $0x80, v15, vm0, $0xb8;
	[tilespmem:$0x1CC00] =	vst v63  }
0x6c: {  	s22 =	simm.s32 $0xC400  }
0x6d: {  	[tilespmem:s22], [sflag:$0x2] =	stream.indirect_vreg.gather [hbm4b:s1+s6], $0x80, v16, vm0, $0xb8;
	[tilespmem:$0x1CC00] =	vst v63  }
0x6e: {  	s23 =	simm.s32 $0xCC00  }
0x6f: {  	[tilespmem:s23], [sflag:$0x2] =	stream.indirect_vreg.gather [hbm4b:s10+s6], $0x80, v16, vm0, $0xb8;
	[tilespmem:$0x1CC00] =	vst v63  }
0x70: {  	s24 =	simm.s32 $0xD400  }
0x71: {  	[tilespmem:s24], [sflag:$0x2] =	stream.indirect_vreg.gather [hbm4b:s11+s6], $0x80, v16, vm0, $0xb8;
	[tilespmem:$0x1CC00] =	vst v63  }
0x72: {  	v19 =	vld [tilespmem:$0x4B90];
	_ =	sdelay $0x4  }
0x73: {  	v20 =	vshrl.u32 v19, $0x3  }
0x74: {  	v20 =	vmul.u32 $0x30, v20  }
0x75: {  	v19 =	vand.u32 $0x7, v19  }
0x76: {  	v19 =	vor.u32 v19, v20  }
0x77: {  	v20 =	vperm.xlane v19, v10;
	_ =	sdelay $0x1  }
0x78: {  	v20 =	vadd.s32 v12, v20;
	_ =	sdelay $0x3  }
0x79: {  	s25 =	simm.s32 $0xDC00;
	v19 =	vperm.xlane v19, v11  }
0x7a: {  	[tilespmem:s25], [sflag:$0x2] =	stream.indirect_vreg.gather [hbm4b:s1+s6], $0x80, v20, vm0, $0xb8;
	[tilespmem:$0x1CC00] =	vst v63  }
0x7b: {  	v19 =	vadd.s32 v12, v19  }
0x7c: {  	[tilespmem:s3], [sflag:$0x2] =	stream.indirect_vreg.gather [hbm4b:s10+s6], $0x80, v20, vm0, $0xb8;
	[tilespmem:$0x1CC00] =	vst v63  }
0x7d: {  	_ = 	snop  }
0x7e: {  	[tilespmem:s8], [sflag:$0x2] =	stream.indirect_vreg.gather [hbm4b:s11+s6], $0x80, v20, vm0, $0xb8;
	[tilespmem:$0x1CC00] =	vst v63  }
0x7f: {  	_ = 	snop  }
0x80: {  	[tilespmem:s9], [sflag:$0x2] =	stream.indirect_vreg.gather [hbm4b:s1+s6], $0x80, v19, vm0, $0xb8;
	[tilespmem:$0x1CC00] =	vst v63  }
0x81: {  	_ = 	snop  }
0x82: {  	[tilespmem:s17], [sflag:$0x2] =	stream.indirect_vreg.gather [hbm4b:s10+s6], $0x80, v19, vm0, $0xb8;
	[tilespmem:$0x1CC00] =	vst v63  }
0x83: {  	s4 =	simm.s32 $0x0  }
0x84: {  	[tilespmem:s28], [sflag:$0x2] =	stream.indirect_vreg.gather [hbm4b:s11+s6], $0x80, v19, vm0, $0xb8;
	[tilespmem:$0x1CC00] =	vst v63  }
.LBB2_2:
0x85: {  	s2 =	sshrl.u32 s4, $0x3  }
0x86: {  	_ =	swait.ge [sflag:s26], $0x6000;
	s14 =	smul.u32 $0x6000, s2;
	s2 =	sadd.s32 s7, s4  }
0x87: {  	p2 =	seq.s32 s4, $0x0;
	[sflag:s26] =	ssyncset.done $0x0;
	p1 =	seq.s32 s2, $0x0  }
.Ltmp2:
0x88: {  	s13 =	simm.s32 @!p2 $0x3;
	[sflag:s26] =	ssyncadd.s32 $0xFFFFA000;
	(pc) =	sbr.rel @p1 .LBB2_6-.Ltmp2, $4  }
0x89: {  	s25 =	sshll.u32 s4, $0x7;
	s19 =	simm.s32 $0x0;
	_ =	swait.ge @!p2 [sflag:s13], $0x6000  }
0x8a: {  	s20 =	simm.s32 $0x0;
	s21 =	simm.s32 $0x0;
	[sflag:s13] =	ssyncset.done @!p2 $0x0  }
0x8b: {  	s14 =	sshra.s32 s14, $0x2;
	[sflag:s13] =	ssyncadd.s32 @!p2 $0xFFFFA000;
	s13 =	sand.u32 $0x380, s25  }
0x8c: {  	s22 =	simm.s32 $0x0;
	s23 =	simm.s32 $0x0;
	s18 =	sor.u32 s13, s14  }
.LBB2_3:
0x8d: {  	s13 =	sshll.u32 s20, $0x2  }
0x8e: {  	s14 =	sand.u32 $0x7, s19;
	s22 =	sshll.u32 s21, $0x7;
	s23 =	sshll.u32 s21, $0x4  }
0x8f: {  	s13 =	sand.u32 $0xFFFFF000, s13;
	s14 =	sshll.u32 s14, $0x6;
	s22 =	sand.u32 $0x1C00, s22  }
0x90: {  	s25 =	sand.u32 $0x70, s23;
	s13 =	sor.u32 s14, s13;
	s22 =	sadd.s32 s22, s18  }
0x91: {  	s13 =	sshrl.u32 s13, $0x2;
	s14 =	sadd.s32 s25, s22  }
0x92: {  	s23 =	sor.u32 $0x380, s23;
	s25 =	sand.u32 $0xFFFFFC00, s20;
	s16 =	sadd.s32 $0x4D80, s13;
	v19 =	vld [tilespmem:s14+$0x0]  }
0x93: {  	s24 =	sor.u32 s23, s25;
	v22 =	vld [tilespmem:s16+$0x180]  }
0x94: {  	v23 =	vld [tilespmem:s24+$0x4C00]  }
0x95: {  	v26 =	vld [tilespmem:s16+$0xFFFFFF00]  }
0x96: {  	v24 =	vld [tilespmem:s16+$0xFFFFFF80]  }
0x97: {  	v21 =	vld [tilespmem:s16+$0x0]  }
0x98: {  	v20 =	vld [tilespmem:s16+$0x80];
	v27 =	vadd.f32 v22, v19  }
0x99: {  	s22 =	sadd.s32 $0x10D80, s13;
	v22 =	vld [tilespmem:s16+$0x100];
	v25 =	vadd.f32 v23, v19  }
0x9a: {  	s13 =	simm.s32 $0x0;
	s25 =	sadd.s32 $0x1800, s25;
	s14 =	sadd.s32 $0x1800, s16;
	v23 =	vld [tilespmem:s16+$0xFFFFFE80];
	v26 =	vadd.f32 v26, v19;
	[tilespmem:s22+$0x180] =	vst v27  }
.LBB2_4:
0x9b: {  	v27 =	vld [tilespmem:s14+$0x180];
	s13 =	sadd.s32 $0x8, s13;
	v24 =	vadd.f32 v24, v19;
	[tilespmem:s24+$0x10C00] =	vst v25;
	s24 =	sor.u32 s23, s25  }
0x9c: {  	v25 =	vld [tilespmem:s24+$0x4C00];
	p3 =	slt.u32 s13, $0x18;
	[tilespmem:s22+$0xFFFFFF00] =	vst v26;
	v21 =	vadd.f32 v21, v19  }
0x9d: {  	v26 =	vld [tilespmem:s14+$0xFFFFFF00];
	[tilespmem:s22+$0xFFFFFF80] =	vst v24;
	v20 =	vadd.f32 v20, v19  }
.Ltmp3:
0x9e: {  	v24 =	vld [tilespmem:s14+$0xFFFFFF80];
	[tilespmem:s22+$0x0] =	vst v21;
	v22 =	vadd.f32 v22, v19;
	(pc) =	sbr.rel @p3 .LBB2_4-.Ltmp3, $4  }
0x9f: {  	v21 =	vld [tilespmem:s14+$0x0];
	v23 =	vadd.f32 v23, v19;
	[tilespmem:s22+$0x80] =	vst v20  }
0xa0: {  	v20 =	vld [tilespmem:s14+$0x80];
	v27 =	vadd.f32 v27, v19;
	[tilespmem:s22+$0x100] =	vst v22  }
0xa1: {  	v22 =	vld [tilespmem:s14+$0x100];
	v25 =	vadd.f32 v25, v19;
	[tilespmem:s22+$0xFFFFFE80] =	vst v23;
	s22 =	sadd.s32 $0x1800, s22  }
0xa2: {  	s25 =	sadd.s32 $0x1800, s25;
	v23 =	vld [tilespmem:s14+$0xFFFFFE80];
	v26 =	vadd.f32 v26, v19;
	[tilespmem:s22+$0x180] =	vst v27;
	s14 =	sadd.s32 $0x1800, s14  }
0xa3: {  	v24 =	vadd.f32 v24, v19;
	[tilespmem:s24+$0x10C00] =	vst v25;
	s21 =	sadd.s32 $0x1, s21  }
0xa4: {  	[tilespmem:s22+$0xFFFFFF00] =	vst v26;
	v21 =	vadd.f32 v21, v19;
	p3 =	seq.s32 s21, $0x30  }
.Ltmp4:
0xa5: {  	[tilespmem:s22+$0xFFFFFF80] =	vst v24;
	v20 =	vadd.f32 v20, v19;
	(pc) =	sbr.rel @!p3 .LBB2_3-.Ltmp4, $4  }
.Ltmp5:
0xa6: {  	[tilespmem:s22+$0x0] =	vst v21;
	v63 =	vadd.f32 v22, v19;
	(pc) =	sbr.rel @p3 .LBB2_9-.Ltmp5, $4  }
0xa7: {  	v19 =	vadd.f32 v23, v19;
	[tilespmem:s22+$0x80] =	vst v20  }
0xa8: {  	[tilespmem:s22+$0x100] =	vst v63  }
0xa9: {  	s20 =	sadd.s32 $0x80, s20;
	s19 =	sadd.s32 $0x1, s19;
	[tilespmem:s22+$0xFFFFFE80] =	vst v19  }
0xaa: {  	_ = 	snop  }
.LBB2_6:
0xab: {  	s13 =	sshll.u32 s23, $0x7  }
0xac: {  	s14 =	sshll.u32 s23, $0x4;
	s13 =	sand.u32 $0x1C00, s13  }
0xad: {  	s16 =	sand.u32 $0x70, s14;
	s13 =	sadd.s32 s13, s18  }
0xae: {  	v19 =	vld [tilespmem:s14+$0x4800];
	s13 =	sadd.s32 s16, s13  }
0xaf: {  	v20 =	vld [tilespmem:s13+$0x0];
	_ =	sdelay $0x1  }
0xb0: {  	s24 =	sshll.u32 s22, $0x2;
	s25 =	sand.u32 $0x7, s19  }
0xb1: {  	s14 =	sshll.u32 s25, $0x6;
	s13 =	sand.u32 $0xFFFFF000, s24  }
0xb2: {  	s13 =	sor.u32 s14, s13  }
0xb3: {  	s13 =	sshrl.u32 s13, $0x2;
	v19 =	vadd.f32 v20, v19  }
0xb4: {  	s13 =	sadd.s32 $0x10E00, s13  }
0xb5: {  	[tilespmem:s13+$0xFFFFFE00] =	vst v19  }
0xb6: {  	[tilespmem:s13+$0x180] =	vst v19  }
0xb7: {  	[tilespmem:s13+$0x100] =	vst v19  }
0xb8: {  	[tilespmem:s13+$0x80] =	vst v19  }
0xb9: {  	[tilespmem:s13+$0x0] =	vst v19  }
0xba: {  	[tilespmem:s13+$0xFFFFFF80] =	vst v19  }
0xbb: {  	s14 =	simm.s32 $0x0;
	[tilespmem:s13+$0xFFFFFF00] =	vst v19  }
.LBB2_7:
0xbc: {  	s14 =	sadd.s32 $0x8, s14;
	[tilespmem:s13+$0xFFFFFE80] =	vst v19;
	s13 =	sadd.s32 $0x1800, s13  }
0xbd: {  	[tilespmem:s13+$0xFFFFFE00] =	vst v19;
	p3 =	slt.u32 s14, $0x18  }
0xbe: {  	[tilespmem:s13+$0x180] =	vst v19  }
.Ltmp6:
0xbf: {  	[tilespmem:s13+$0x100] =	vst v19;
	(pc) =	sbr.rel @p3 .LBB2_7-.Ltmp6, $4  }
0xc0: {  	[tilespmem:s13+$0x80] =	vst v19  }
0xc1: {  	[tilespmem:s13+$0x0] =	vst v19  }
0xc2: {  	[tilespmem:s13+$0xFFFFFF80] =	vst v19  }
0xc3: {  	[tilespmem:s13+$0xFFFFFF00] =	vst v19  }
0xc4: {  	s23 =	sadd.s32 $0x1, s23  }
0xc5: {  	p3 =	sne.s32 s23, $0x30  }
.Ltmp7:
0xc6: {  	_ = 	snop;
	(pc) =	sbr.rel @p3 .LBB2_6-.Ltmp7, $2  }
0xc7: {  	_ =	sdelay $0x2  }
0xc8: {  	[tilespmem:s13+$0xFFFFFE80] =	vst v19;
	s22 =	sadd.s32 $0x80, s22;
	s19 =	sadd.s32 $0x1, s19  }
.LBB2_9:
0xc9: {  	p3 =	sne.s32 s4, $0x11  }
.Ltmp8:
0xca: {  	_ = 	snop;
	(pc) =	sbr.rel @p3 .LBB2_11-.Ltmp8, $3  }
0xcb: {  	s13 =	smul.u32 $0x1800, s2;
	_ =	sdelay $0x1  }
0xcc: {  	s13 =	sadd.s32 s5, s13  }
0xcd: {  	[hbm4b:s13+s6] =	stream.linear.scatter [tilespmem:s29], [sflag:$0x3], $0x6000, $0x38;
	[tilespmem:$0x1CC00] =	vst v63  }
.Ltmp9:
0xce: {  	(pc) =	sbr.rel .LBB2_12-.Ltmp9, $4  }
0xcf: {  	_ = 	snop  }
0xd0: {  	_ =	swait.ge [sflag:s30], $0x6000  }
0xd1: {  	[sflag:s30] =	ssyncset.done $0x0  }
0xd2: {  	[sflag:s30] =	ssyncadd.s32 $0xFFFFA000  }
.LBB2_11:
0xd3: {  	v19 =	vadd.s32 s2, v0  }
0xd4: {  	v20 =	vshrl.u32 v19, $0x3  }
0xd5: {  	v21 =	vmov s2;
	v20 =	vmul.u32 $0x30, v20  }
0xd6: {  	v21 =	vand.u32 $0x7, v21  }
0xd7: {  	v20 =	vor.u32 v21, v20  }
0xd8: {  	v21 =	vperm.xlane v20, v10;
	_ =	sdelay $0x1  }
0xd9: {  	v21 =	vadd.s32 v12, v21;
	_ =	sdelay $0x2  }
0xda: {  	[tilespmem:$0x4B00] =	vst v19;
	v19 =	vadd.s32 s2, v1  }
0xdb: {  	s13 =	simm.s32 $0x4C00;
	[tilespmem:$0x4B10] =	vst v19;
	v19 =	vperm.xlane v20, v11  }
0xdc: {  	[tilespmem:s13], [sflag:$0x1] =	stream.indirect_vreg.gather [hbm4b:s1+s6], $0x80, v21, vm0, $0xb8;
	[tilespmem:$0x1CC00] =	vst v63  }
0xdd: {  	s25 =	simm.s32 $0x5400;
	v19 =	vadd.s32 v12, v19  }
0xde: {  	[tilespmem:s25], [sflag:$0x1] =	stream.indirect_vreg.gather [hbm4b:s10+s6], $0x80, v21, vm0, $0xb8;
	[tilespmem:$0x1CC00] =	vst v63  }
0xdf: {  	s14 =	simm.s32 $0x5C00  }
0xe0: {  	[tilespmem:s14], [sflag:$0x1] =	stream.indirect_vreg.gather [hbm4b:s11+s6], $0x80, v21, vm0, $0xb8;
	[tilespmem:$0x1CC00] =	vst v63  }
0xe1: {  	s15 =	simm.s32 $0x6400  }
0xe2: {  	[tilespmem:s15], [sflag:$0x1] =	stream.indirect_vreg.gather [hbm4b:s1+s6], $0x80, v19, vm0, $0xb8;
	[tilespmem:$0x1CC00] =	vst v63  }
0xe3: {  	s16 =	simm.s32 $0x6C00  }
0xe4: {  	[tilespmem:s16], [sflag:$0x1] =	stream.indirect_vreg.gather [hbm4b:s10+s6], $0x80, v19, vm0, $0xb8;
	[tilespmem:$0x1CC00] =	vst v63  }
0xe5: {  	s19 =	simm.s32 $0x7400  }
0xe6: {  	[tilespmem:s19], [sflag:$0x1] =	stream.indirect_vreg.gather [hbm4b:s11+s6], $0x80, v19, vm0, $0xb8;
	[tilespmem:$0x1CC00] =	vst v63  }
0xe7: {  	v19 =	vld [tilespmem:$0x4B10];
	_ =	sdelay $0x4  }
0xe8: {  	v20 =	vshrl.u32 v19, $0x3  }
0xe9: {  	v20 =	vmul.u32 $0x30, v20  }
0xea: {  	v19 =	vand.u32 $0x7, v19  }
0xeb: {  	v19 =	vor.u32 v19, v20  }
0xec: {  	v20 =	vperm.xlane v19, v10;
	_ =	sdelay $0x1  }
0xed: {  	v20 =	vadd.s32 v12, v20;
	_ =	sdelay $0x3  }
0xee: {  	s20 =	simm.s32 $0x7C00;
	v19 =	vperm.xlane v19, v11  }
0xef: {  	[tilespmem:s20], [sflag:$0x1] =	stream.indirect_vreg.gather [hbm4b:s1+s6], $0x80, v20, vm0, $0xb8;
	[tilespmem:$0x1CC00] =	vst v63  }
0xf0: {  	s21 =	simm.s32 $0x8400;
	v19 =	vadd.s32 v12, v19  }
0xf1: {  	[tilespmem:s21], [sflag:$0x1] =	stream.indirect_vreg.gather [hbm4b:s10+s6], $0x80, v20, vm0, $0xb8;
	[tilespmem:$0x1CC00] =	vst v63  }
0xf2: {  	s22 =	simm.s32 $0x8C00  }
0xf3: {  	[tilespmem:s22], [sflag:$0x1] =	stream.indirect_vreg.gather [hbm4b:s11+s6], $0x80, v20, vm0, $0xb8;
	[tilespmem:$0x1CC00] =	vst v63  }
0xf4: {  	s23 =	simm.s32 $0x9400  }
0xf5: {  	[tilespmem:s23], [sflag:$0x1] =	stream.indirect_vreg.gather [hbm4b:s1+s6], $0x80, v19, vm0, $0xb8;
	[tilespmem:$0x1CC00] =	vst v63  }
0xf6: {  	s24 =	simm.s32 $0x9C00  }
0xf7: {  	[tilespmem:s24], [sflag:$0x1] =	stream.indirect_vreg.gather [hbm4b:s10+s6], $0x80, v19, vm0, $0xb8;
	[tilespmem:$0x1CC00] =	vst v63  }
.Ltmp10:
0xf8: {  	s25 =	simm.s32 $0xA400;
	(pc) =	sbr.rel @p2 .LBB2_13-.Ltmp10, $4  }
0xf9: {  	[tilespmem:s25], [sflag:$0x1] =	stream.indirect_vreg.gather [hbm4b:s11+s6], $0x80, v19, vm0, $0xb8;
	[tilespmem:$0x1CC00] =	vst v63  }
0xfa: {  	_ =	swait.ge [sflag:s30], $0x6000  }
0xfb: {  	[sflag:s30] =	ssyncset.done $0x0  }
0xfc: {  	[sflag:s30] =	ssyncadd.s32 $0xFFFFA000  }
.LBB2_12:
0xfd: {  	_ =	swait.ge [sflag:s31], $0x6000  }
0xfe: {  	[sflag:s31] =	ssyncset.done $0x0  }
0xff: {  	[sflag:s31] =	ssyncadd.s32 $0xFFFFA000  }
.LBB2_13:
.Ltmp11:
0x100: {  	(pc) =	sbr.rel @p1 .LBB2_17-.Ltmp11, $3  }
0x101: {  	_ =	sdelay $0x1  }
0x102: {  	s19 =	simm.s32 $0x0;
	s20 =	simm.s32 $0x0  }
0x103: {  	s21 =	simm.s32 $0x0;
	s22 =	simm.s32 $0x0;
	s23 =	simm.s32 $0x0  }
.LBB2_14:
0x104: {  	s13 =	sshll.u32 s20, $0x2  }
0x105: {  	s14 =	sand.u32 $0x7, s19;
	s16 =	sshll.u32 s21, $0x7;
	s22 =	sshll.u32 s21, $0x4  }
0x106: {  	s13 =	sand.u32 $0xFFFFF000, s13;
	s14 =	sshll.u32 s14, $0x6;
	s16 =	sand.u32 $0x1C00, s16  }
0x107: {  	s24 =	sand.u32 $0x70, s22;
	s13 =	sor.u32 s14, s13;
	s16 =	sadd.s32 s16, s18  }
0x108: {  	s13 =	sshrl.u32 s13, $0x2;
	s14 =	sadd.s32 s24, s16  }
0x109: {  	s25 =	sand.u32 $0xFFFFFC00, s20;
	s23 =	sor.u32 $0x380, s22;
	s15 =	sadd.s32 $0xAD80, s13;
	v19 =	vld [tilespmem:s14+$0x0]  }
0x10a: {  	s24 =	sor.u32 s23, s25;
	v22 =	vld [tilespmem:s15+$0x180]  }
0x10b: {  	v23 =	vld [tilespmem:s24+$0xAC00]  }
0x10c: {  	v26 =	vld [tilespmem:s15+$0xFFFFFF00]  }
0x10d: {  	v24 =	vld [tilespmem:s15+$0xFFFFFF80]  }
0x10e: {  	v21 =	vld [tilespmem:s15+$0x0]  }
0x10f: {  	v20 =	vld [tilespmem:s15+$0x80];
	v27 =	vadd.f32 v22, v19  }
0x110: {  	s22 =	sadd.s32 $0x16D80, s13;
	v25 =	vadd.f32 v23, v19;
	v22 =	vld [tilespmem:s15+$0x100]  }
0x111: {  	s25 =	sadd.s32 $0x1800, s25;
	s13 =	simm.s32 $0x0;
	s14 =	sadd.s32 $0x1800, s15;
	v23 =	vld [tilespmem:s15+$0xFFFFFE80];
	v26 =	vadd.f32 v26, v19;
	[tilespmem:s22+$0x180] =	vst v27  }
.LBB2_15:
0x112: {  	v27 =	vld [tilespmem:s14+$0x180];
	s13 =	sadd.s32 $0x8, s13;
	v24 =	vadd.f32 v24, v19;
	[tilespmem:s24+$0x16C00] =	vst v25;
	s24 =	sor.u32 s23, s25  }
0x113: {  	v25 =	vld [tilespmem:s24+$0xAC00];
	p1 =	slt.u32 s13, $0x18;
	[tilespmem:s22+$0xFFFFFF00] =	vst v26;
	v21 =	vadd.f32 v21, v19  }
0x114: {  	v26 =	vld [tilespmem:s14+$0xFFFFFF00];
	[tilespmem:s22+$0xFFFFFF80] =	vst v24;
	v20 =	vadd.f32 v20, v19  }
.Ltmp12:
0x115: {  	v24 =	vld [tilespmem:s14+$0xFFFFFF80];
	[tilespmem:s22+$0x0] =	vst v21;
	v22 =	vadd.f32 v22, v19;
	(pc) =	sbr.rel @p1 .LBB2_15-.Ltmp12, $4  }
0x116: {  	v21 =	vld [tilespmem:s14+$0x0];
	v23 =	vadd.f32 v23, v19;
	[tilespmem:s22+$0x80] =	vst v20  }
0x117: {  	v20 =	vld [tilespmem:s14+$0x80];
	v27 =	vadd.f32 v27, v19;
	[tilespmem:s22+$0x100] =	vst v22  }
0x118: {  	v22 =	vld [tilespmem:s14+$0x100];
	v25 =	vadd.f32 v25, v19;
	[tilespmem:s22+$0xFFFFFE80] =	vst v23;
	s22 =	sadd.s32 $0x1800, s22  }
0x119: {  	s25 =	sadd.s32 $0x1800, s25;
	v23 =	vld [tilespmem:s14+$0xFFFFFE80];
	v26 =	vadd.f32 v26, v19;
	[tilespmem:s22+$0x180] =	vst v27;
	s14 =	sadd.s32 $0x1800, s14  }
0x11a: {  	v24 =	vadd.f32 v24, v19;
	[tilespmem:s24+$0x16C00] =	vst v25;
	s21 =	sadd.s32 $0x1, s21  }
0x11b: {  	[tilespmem:s22+$0xFFFFFF00] =	vst v26;
	v21 =	vadd.f32 v21, v19;
	p1 =	seq.s32 s21, $0x30  }
.Ltmp13:
0x11c: {  	[tilespmem:s22+$0xFFFFFF80] =	vst v24;
	v20 =	vadd.f32 v20, v19;
	(pc) =	sbr.rel @!p1 .LBB2_14-.Ltmp13, $4  }
.Ltmp14:
0x11d: {  	[tilespmem:s22+$0x0] =	vst v21;
	v63 =	vadd.f32 v22, v19;
	(pc) =	sbr.rel @p1 .LBB2_20-.Ltmp14, $4  }
0x11e: {  	v19 =	vadd.f32 v23, v19;
	[tilespmem:s22+$0x80] =	vst v20  }
0x11f: {  	[tilespmem:s22+$0x100] =	vst v63  }
0x120: {  	s20 =	sadd.s32 $0x80, s20;
	s19 =	sadd.s32 $0x1, s19;
	[tilespmem:s22+$0xFFFFFE80] =	vst v19  }
0x121: {  	_ = 	snop  }
.LBB2_17:
0x122: {  	s13 =	sshll.u32 s23, $0x7  }
0x123: {  	s14 =	sshll.u32 s23, $0x4;
	s13 =	sand.u32 $0x1C00, s13  }
0x124: {  	s15 =	sand.u32 $0x70, s14;
	s13 =	sadd.s32 s13, s18  }
0x125: {  	v19 =	vld [tilespmem:s14+$0x4800];
	s13 =	sadd.s32 s15, s13  }
0x126: {  	v20 =	vld [tilespmem:s13+$0x0];
	_ =	sdelay $0x1  }
0x127: {  	s24 =	sshll.u32 s22, $0x2;
	s25 =	sand.u32 $0x7, s19  }
0x128: {  	s14 =	sshll.u32 s25, $0x6;
	s13 =	sand.u32 $0xFFFFF000, s24  }
0x129: {  	s13 =	sor.u32 s14, s13  }
0x12a: {  	s13 =	sshrl.u32 s13, $0x2;
	v19 =	vadd.f32 v20, v19  }
0x12b: {  	s13 =	sadd.s32 $0x16E00, s13  }
0x12c: {  	[tilespmem:s13+$0xFFFFFE00] =	vst v19  }
0x12d: {  	[tilespmem:s13+$0x180] =	vst v19  }
0x12e: {  	[tilespmem:s13+$0x100] =	vst v19  }
0x12f: {  	[tilespmem:s13+$0x80] =	vst v19  }
0x130: {  	[tilespmem:s13+$0x0] =	vst v19  }
0x131: {  	[tilespmem:s13+$0xFFFFFF80] =	vst v19  }
0x132: {  	s14 =	simm.s32 $0x0;
	[tilespmem:s13+$0xFFFFFF00] =	vst v19  }
.LBB2_18:
0x133: {  	s14 =	sadd.s32 $0x8, s14;
	[tilespmem:s13+$0xFFFFFE80] =	vst v19;
	s13 =	sadd.s32 $0x1800, s13  }
0x134: {  	[tilespmem:s13+$0xFFFFFE00] =	vst v19;
	p1 =	slt.u32 s14, $0x18  }
0x135: {  	[tilespmem:s13+$0x180] =	vst v19  }
.Ltmp15:
0x136: {  	[tilespmem:s13+$0x100] =	vst v19;
	(pc) =	sbr.rel @p1 .LBB2_18-.Ltmp15, $4  }
0x137: {  	[tilespmem:s13+$0x80] =	vst v19  }
0x138: {  	[tilespmem:s13+$0x0] =	vst v19  }
0x139: {  	[tilespmem:s13+$0xFFFFFF80] =	vst v19  }
0x13a: {  	[tilespmem:s13+$0xFFFFFF00] =	vst v19  }
0x13b: {  	s23 =	sadd.s32 $0x1, s23  }
0x13c: {  	p1 =	sne.s32 s23, $0x30  }
.Ltmp16:
0x13d: {  	_ = 	snop;
	(pc) =	sbr.rel @p1 .LBB2_17-.Ltmp16, $2  }
0x13e: {  	_ =	sdelay $0x2  }
0x13f: {  	[tilespmem:s13+$0xFFFFFE80] =	vst v19;
	s22 =	sadd.s32 $0x80, s22;
	s19 =	sadd.s32 $0x1, s19  }
.LBB2_20:
0x140: {  	s2 =	smul.u32 $0xC000, s2;
	p1 =	seq.s32 s4, $0x11  }
.Ltmp17:
0x141: {  	_ = 	snop;
	(pc) =	sbr.rel @p1 .LBB2_22-.Ltmp17, $4  }
0x142: {  	s2 =	sshrl.u32 s2, $0x3  }
0x143: {  	s2 =	sadd.s32 s5, s2  }
0x144: {  	s2 =	sadd.s32 $0xC00, s2  }
0x145: {  	[hbm4b:s2+s6] =	stream.linear.scatter [tilespmem:s0], [sflag:$0x4], $0x6000, $0x38;
	[tilespmem:$0x1CC00] =	vst v63  }
0x146: {  	s2 =	sadd.s32 s4, s12  }
0x147: {  	v19 =	vadd.s32 s2, v0  }
0x148: {  	vm1 =	vgt.s32 v19, $0x0  }
0x149: {  	v19 =	vnsel vm1, $0x0, v19  }
0x14a: {  	v20 =	vshrl.u32 v19, $0x3  }
0x14b: {  	v20 =	vmul.u32 $0x30, v20  }
0x14c: {  	v21 =	vand.u32 $0x7, v19  }
0x14d: {  	v20 =	vor.u32 v21, v20  }
0x14e: {  	v21 =	vperm.xlane v20, v10;
	_ =	sdelay $0x1  }
0x14f: {  	v21 =	vadd.s32 v12, v21;
	_ =	sdelay $0x2  }
0x150: {  	[tilespmem:$0x4B80] =	vst v19;
	v19 =	vadd.s32 s2, v1  }
0x151: {  	s19 =	simm.s32 $0xAC00;
	[tilespmem:$0x4B90] =	vst v19;
	v19 =	vperm.xlane v20, v11  }
0x152: {  	[tilespmem:s19], [sflag:$0x2] =	stream.indirect_vreg.gather [hbm4b:s1+s6], $0x80, v21, vm0, $0xb8;
	[tilespmem:$0x1CC00] =	vst v63  }
0x153: {  	s20 =	simm.s32 $0xB400;
	v19 =	vadd.s32 v12, v19  }
0x154: {  	[tilespmem:s20], [sflag:$0x2] =	stream.indirect_vreg.gather [hbm4b:s10+s6], $0x80, v21, vm0, $0xb8;
	[tilespmem:$0x1CC00] =	vst v63  }
0x155: {  	s21 =	simm.s32 $0xBC00  }
0x156: {  	[tilespmem:s21], [sflag:$0x2] =	stream.indirect_vreg.gather [hbm4b:s11+s6], $0x80, v21, vm0, $0xb8;
	[tilespmem:$0x1CC00] =	vst v63  }
0x157: {  	s22 =	simm.s32 $0xC400  }
0x158: {  	[tilespmem:s22], [sflag:$0x2] =	stream.indirect_vreg.gather [hbm4b:s1+s6], $0x80, v19, vm0, $0xb8;
	[tilespmem:$0x1CC00] =	vst v63  }
0x159: {  	s23 =	simm.s32 $0xCC00  }
0x15a: {  	[tilespmem:s23], [sflag:$0x2] =	stream.indirect_vreg.gather [hbm4b:s10+s6], $0x80, v19, vm0, $0xb8;
	[tilespmem:$0x1CC00] =	vst v63  }
0x15b: {  	s24 =	simm.s32 $0xD400  }
0x15c: {  	[tilespmem:s24], [sflag:$0x2] =	stream.indirect_vreg.gather [hbm4b:s11+s6], $0x80, v19, vm0, $0xb8;
	[tilespmem:$0x1CC00] =	vst v63  }
0x15d: {  	v19 =	vld [tilespmem:$0x4B90];
	_ =	sdelay $0x4  }
0x15e: {  	v20 =	vshrl.u32 v19, $0x3  }
0x15f: {  	v20 =	vmul.u32 $0x30, v20  }
0x160: {  	v19 =	vand.u32 $0x7, v19  }
0x161: {  	v19 =	vor.u32 v19, v20  }
0x162: {  	v20 =	vperm.xlane v19, v10;
	_ =	sdelay $0x1  }
0x163: {  	v20 =	vadd.s32 v12, v20;
	_ =	sdelay $0x3  }
0x164: {  	s25 =	simm.s32 $0xDC00;
	v19 =	vperm.xlane v19, v11  }
0x165: {  	[tilespmem:s25], [sflag:$0x2] =	stream.indirect_vreg.gather [hbm4b:s1+s6], $0x80, v20, vm0, $0xb8;
	[tilespmem:$0x1CC00] =	vst v63  }
0x166: {  	v19 =	vadd.s32 v12, v19  }
0x167: {  	[tilespmem:s3], [sflag:$0x2] =	stream.indirect_vreg.gather [hbm4b:s10+s6], $0x80, v20, vm0, $0xb8;
	[tilespmem:$0x1CC00] =	vst v63  }
0x168: {  	_ = 	snop  }
0x169: {  	[tilespmem:s8], [sflag:$0x2] =	stream.indirect_vreg.gather [hbm4b:s11+s6], $0x80, v20, vm0, $0xb8;
	[tilespmem:$0x1CC00] =	vst v63  }
0x16a: {  	_ = 	snop  }
0x16b: {  	[tilespmem:s9], [sflag:$0x2] =	stream.indirect_vreg.gather [hbm4b:s1+s6], $0x80, v19, vm0, $0xb8;
	[tilespmem:$0x1CC00] =	vst v63  }
.Ltmp18:
0x16c: {  	_ = 	snop;
	(pc) =	sbr.rel .LBB2_2-.Ltmp18, $4  }
0x16d: {  	_ = 	snop  }
0x16e: {  	[tilespmem:s17], [sflag:$0x2] =	stream.indirect_vreg.gather [hbm4b:s10+s6], $0x80, v19, vm0, $0xb8;
	[tilespmem:$0x1CC00] =	vst v63  }
0x16f: {  	s4 =	sadd.s32 $0x1, s4  }
0x170: {  	[tilespmem:s28], [sflag:$0x2] =	stream.indirect_vreg.gather [hbm4b:s11+s6], $0x80, v19, vm0, $0xb8;
	[tilespmem:$0x1CC00] =	vst v63  }
.LBB2_22:
0x171: {  	s2 =	simm.s32 $0x3  }
0x172: {  	_ =	swait.ge [sflag:s2], $0x6000  }
.Ltmp19:
0x173: {  	[sflag:s2] =	ssyncset.done $0x0;
	(pc) =	sbr.rel @p0 .LBB2_28-.Ltmp19, $4  }
0x174: {  	[sflag:s2] =	ssyncadd.s32 $0xFFFFA000  }
0x175: {  	_ =	swait.ge [sflag:s31], $0x6000  }
0x176: {  	[sflag:s31] =	ssyncset.done $0x0  }
0x177: {  	s23 =	simm.s32 $0x5;
	s4 =	rddreg [dreg:$0xa];
	[sflag:s31] =	ssyncadd.s32 $0xFFFFA000  }
0x178: {  	_ =	sdelay $0x1  }
0x179: {  	[tilespmem:$0x4B00] =	vst v5  }
0x17a: {  	[tilespmem:$0x4B10] =	vst v6;
	s2 =	simm.s32 $0x0;
	s4 =	simm.s32 $0x4C00  }
0x17b: {  	[tilespmem:s4], [sflag:$0x1] =	stream.indirect_vreg.gather [hbm4b:s1+s2], $0x80, v17, vm0, $0xb8;
	[tilespmem:$0x1CC00] =	vst v63  }
0x17c: {  	s25 =	simm.s32 $0x5400  }
0x17d: {  	[tilespmem:s25], [sflag:$0x1] =	stream.indirect_vreg.gather [hbm4b:s10+s2], $0x80, v17, vm0, $0xb8;
	[tilespmem:$0x1CC00] =	vst v63  }
0x17e: {  	s13 =	simm.s32 $0x5C00  }
0x17f: {  	[tilespmem:s13], [sflag:$0x1] =	stream.indirect_vreg.gather [hbm4b:s11+s2], $0x80, v17, vm0, $0xb8;
	[tilespmem:$0x1CC00] =	vst v63  }
0x180: {  	s14 =	simm.s32 $0x6400  }
0x181: {  	[tilespmem:s14], [sflag:$0x1] =	stream.indirect_vreg.gather [hbm4b:s1+s2], $0x80, v18, vm0, $0xb8;
	[tilespmem:$0x1CC00] =	vst v63  }
0x182: {  	s15 =	simm.s32 $0x6C00  }
0x183: {  	[tilespmem:s15], [sflag:$0x1] =	stream.indirect_vreg.gather [hbm4b:s10+s2], $0x80, v18, vm0, $0xb8;
	[tilespmem:$0x1CC00] =	vst v63  }
0x184: {  	s16 =	simm.s32 $0x7400  }
0x185: {  	[tilespmem:s16], [sflag:$0x1] =	stream.indirect_vreg.gather [hbm4b:s11+s2], $0x80, v18, vm0, $0xb8;
	[tilespmem:$0x1CC00] =	vst v63  }
0x186: {  	v19 =	vld [tilespmem:$0x4B10];
	_ =	sdelay $0x4  }
0x187: {  	v20 =	vshrl.u32 v19, $0x3  }
0x188: {  	v20 =	vmul.u32 $0x30, v20  }
0x189: {  	v19 =	vand.u32 $0x7, v19  }
0x18a: {  	v19 =	vor.u32 v19, v20  }
0x18b: {  	v20 =	vperm.xlane v19, v10;
	_ =	sdelay $0x1  }
0x18c: {  	v20 =	vadd.s32 v12, v20;
	_ =	sdelay $0x3  }
0x18d: {  	s18 =	simm.s32 $0x7C00;
	v19 =	vperm.xlane v19, v11  }
0x18e: {  	[tilespmem:s18], [sflag:$0x1] =	stream.indirect_vreg.gather [hbm4b:s1+s2], $0x80, v20, vm0, $0xb8;
	[tilespmem:$0x1CC00] =	vst v63  }
0x18f: {  	s19 =	simm.s32 $0x8400;
	v19 =	vadd.s32 v12, v19  }
0x190: {  	[tilespmem:s19], [sflag:$0x1] =	stream.indirect_vreg.gather [hbm4b:s10+s2], $0x80, v20, vm0, $0xb8;
	[tilespmem:$0x1CC00] =	vst v63  }
0x191: {  	s20 =	simm.s32 $0x8C00  }
0x192: {  	[tilespmem:s20], [sflag:$0x1] =	stream.indirect_vreg.gather [hbm4b:s11+s2], $0x80, v20, vm0, $0xb8;
	[tilespmem:$0x1CC00] =	vst v63  }
0x193: {  	s21 =	simm.s32 $0x9400  }
0x194: {  	[tilespmem:s21], [sflag:$0x1] =	stream.indirect_vreg.gather [hbm4b:s1+s2], $0x80, v19, vm0, $0xb8;
	[tilespmem:$0x1CC00] =	vst v63  }
0x195: {  	s22 =	simm.s32 $0x9C00  }
0x196: {  	[tilespmem:s22], [sflag:$0x1] =	stream.indirect_vreg.gather [hbm4b:s10+s2], $0x80, v19, vm0, $0xb8;
	[tilespmem:$0x1CC00] =	vst v63  }
0x197: {  	s24 =	simm.s32 $0xA400  }
0x198: {  	[tilespmem:s24], [sflag:$0x1] =	stream.indirect_vreg.gather [hbm4b:s11+s2], $0x80, v19, vm0, $0xb8;
	[tilespmem:$0x1CC00] =	vst v63  }
0x199: {  	_ =	swait.ge [sflag:s26], $0x6000  }
0x19a: {  	s13 =	simm.s32 $0x4800;
	s14 =	simm.s32 $0x80;
	[sflag:s26] =	ssyncset.done $0x0  }
0x19b: {  	s15 =	simm.s32 $0x400;
	s25 =	rddreg [dreg:$0x7];
	[sflag:s26] =	ssyncadd.s32 $0xFFFFA000  }
0x19c: {  	[tilespmem:s13], [sflag:$0x5] =	stream.strided.gather [hbm4b:s25+s14], $0x300, s15, s14, $0x38;
	[tilespmem:$0x1CC00] =	vst v63  }
0x19d: {  	_ =	swait.ge [sflag:s23], $0x300  }
0x19e: {  	[sflag:s23] =	ssyncset.done $0x0  }
0x19f: {  	s4 =	simm.s32 $0x0;
	s18 =	simm.s32 $0x0;
	[sflag:s23] =	ssyncadd.s32 $0xFFFFFD00  }
.LBB2_24:
0x1a0: {  	s13 =	sshll.u32 s4, $0x2;
	s14 =	sand.u32 $0x7, s2  }
0x1a1: {  	s13 =	sand.u32 $0xFFFFF000, s13;
	s14 =	sshll.u32 s14, $0x6  }
0x1a2: {  	s13 =	sor.u32 s14, s13  }
0x1a3: {  	s25 =	sshll.u32 s18, $0x4;
	s13 =	sshrl.u32 s13, $0x2  }
0x1a4: {  	s15 =	sand.u32 $0xFFFFFC00, s4;
	v19 =	vld [tilespmem:s25+$0x4800];
	s20 =	sor.u32 $0x380, s25;
	s16 =	sadd.s32 $0x4D80, s13  }
0x1a5: {  	s21 =	sor.u32 s20, s15;
	v22 =	vld [tilespmem:s16+$0x180]  }
0x1a6: {  	v23 =	vld [tilespmem:s21+$0x4C00]  }
0x1a7: {  	v26 =	vld [tilespmem:s16+$0xFFFFFF00]  }
0x1a8: {  	v24 =	vld [tilespmem:s16+$0xFFFFFF80]  }
0x1a9: {  	v21 =	vld [tilespmem:s16+$0x0]  }
0x1aa: {  	v20 =	vld [tilespmem:s16+$0x80];
	v27 =	vadd.f32 v22, v19  }
0x1ab: {  	s19 =	sadd.s32 $0x10D80, s13;
	v25 =	vadd.f32 v23, v19;
	v22 =	vld [tilespmem:s16+$0x100]  }
0x1ac: {  	s22 =	sadd.s32 $0x1800, s15;
	s13 =	simm.s32 $0x0;
	s14 =	sadd.s32 $0x1800, s16;
	v23 =	vld [tilespmem:s16+$0xFFFFFE80];
	v26 =	vadd.f32 v26, v19;
	[tilespmem:s19+$0x180] =	vst v27  }
.LBB2_25:
0x1ad: {  	v27 =	vld [tilespmem:s14+$0x180];
	s13 =	sadd.s32 $0x8, s13;
	v24 =	vadd.f32 v24, v19;
	[tilespmem:s21+$0x10C00] =	vst v25;
	s21 =	sor.u32 s20, s22  }
0x1ae: {  	v25 =	vld [tilespmem:s21+$0x4C00];
	p1 =	slt.u32 s13, $0x18;
	[tilespmem:s19+$0xFFFFFF00] =	vst v26;
	v21 =	vadd.f32 v21, v19  }
0x1af: {  	v26 =	vld [tilespmem:s14+$0xFFFFFF00];
	[tilespmem:s19+$0xFFFFFF80] =	vst v24;
	v20 =	vadd.f32 v20, v19  }
.Ltmp20:
0x1b0: {  	v24 =	vld [tilespmem:s14+$0xFFFFFF80];
	[tilespmem:s19+$0x0] =	vst v21;
	v22 =	vadd.f32 v22, v19;
	(pc) =	sbr.rel @p1 .LBB2_25-.Ltmp20, $4  }
0x1b1: {  	v21 =	vld [tilespmem:s14+$0x0];
	v23 =	vadd.f32 v23, v19;
	[tilespmem:s19+$0x80] =	vst v20  }
0x1b2: {  	v20 =	vld [tilespmem:s14+$0x80];
	v27 =	vadd.f32 v27, v19;
	[tilespmem:s19+$0x100] =	vst v22  }
0x1b3: {  	v22 =	vld [tilespmem:s14+$0x100];
	v25 =	vadd.f32 v25, v19;
	[tilespmem:s19+$0xFFFFFE80] =	vst v23;
	s19 =	sadd.s32 $0x1800, s19  }
0x1b4: {  	s22 =	sadd.s32 $0x1800, s22;
	v23 =	vld [tilespmem:s14+$0xFFFFFE80];
	v26 =	vadd.f32 v26, v19;
	[tilespmem:s19+$0x180] =	vst v27;
	s14 =	sadd.s32 $0x1800, s14  }
0x1b5: {  	v24 =	vadd.f32 v24, v19;
	[tilespmem:s21+$0x10C00] =	vst v25;
	s18 =	sadd.s32 $0x1, s18  }
0x1b6: {  	[tilespmem:s19+$0xFFFFFF00] =	vst v26;
	v21 =	vadd.f32 v21, v19;
	p1 =	sne.s32 s18, $0x30  }
.Ltmp21:
0x1b7: {  	[tilespmem:s19+$0xFFFFFF80] =	vst v24;
	v20 =	vadd.f32 v20, v19;
	(pc) =	sbr.rel @p1 .LBB2_24-.Ltmp21, $4  }
0x1b8: {  	[tilespmem:s19+$0x0] =	vst v21;
	v63 =	vadd.f32 v22, v19  }
0x1b9: {  	v19 =	vadd.f32 v23, v19;
	[tilespmem:s19+$0x80] =	vst v20  }
0x1ba: {  	[tilespmem:s19+$0x100] =	vst v63  }
0x1bb: {  	s4 =	sadd.s32 $0x80, s4;
	s2 =	sadd.s32 $0x1, s2;
	[tilespmem:s19+$0xFFFFFE80] =	vst v19  }
.Ltmp22:
0x1bc: {  	s2 =	rddreg [dreg:$0x8];
	(pc) =	sbr.rel .LBB2_28-.Ltmp22, $4  }
0x1bd: {  	[hbm4b:s2+s6] =	stream.linear.scatter [tilespmem:s29], [sflag:$0x5], $0x6000, $0x38;
	[tilespmem:$0x1CC00] =	vst v63  }
0x1be: {  	_ =	swait.ge [sflag:s23], $0x6000  }
0x1bf: {  	[sflag:s23] =	ssyncset.done $0x0  }
0x1c0: {  	s4 =	rddreg [dreg:$0xa];
	[sflag:s23] =	ssyncadd.s32 $0xFFFFA000  }
.LBB2_29:
0x1c1: {  	_ =	sfence.sel $0x180000  }
0x1c2: {  	[bflag:$0x0] =	sbarrier.arrive $0xFFFF  }
0x1c3: {  	_ =	strace $0x90000047  }
0x1c4: {  	s0 =	stileid.u32;
	[bflag:$0x2] =	sbarrier.arrive $0xFFFF  }
0x1c5: {  	p0 =	sne.s32 s0, $0x0;
	s0 =	rddreg [dreg:$0x4]  }
0x1c6: {  	s0 =	sadd.s32 @!p0 $0x100000, s0  }
0x1c7: {  	[sflag:s0] =	ssyncadd.tile.s32 @!p0 $0x1;
	_ =	shalt  }
.Lfunc_end2:
_tile_overlayer_lowered:
.L_overlay_start_2:
0x1c8: {  	(tag) =	ssettag $0x2  }
0x1c9: {  	s0 =	rddreg [dreg:$0x0];
	s2 =	stileid.u32  }
0x1ca: {  	s1 =	rddreg [dreg:$0x1];
	p0 =	sne.s32 s2, $0x0  }
0x1cb: {  	s3 =	rddreg [dreg:$0x2];
	[bflag:$0x3] =	sbarrier.arrive $0xFFFF;
	s2 =	simm.s32 @!p0 $0x1C05  }
0x1cc: {  	[timem:s3], [sflag:s2] =	dma.local @!p0 [hbm:s0], s1  }
0x1cd: {  	s0 =	simm.s32 @!p0 $0x5  }
0x1ce: {  	_ =	swait.ge @!p0 [sflag:s0], s1  }
0x1cf: {  	s1 =	ssub.s32 @!p0 $0x0, s1;
	[sflag:s0] =	ssyncset.done @!p0 $0x0  }
0x1d0: {  	[sflag:s0] =	ssyncadd.s32 @!p0 s1  }
0x1d1: {  	[bflag:$0x3] =	sbarrier.arrive $0xFFFF  }
0x1d2: {  	_ =	shalt  }

</sc_bundles>
